<compile_context>
chip_gen: v7x
topology: tpu7x:2x2x1
jax: 0.10.2.dev20260603
libtpu: 0.0.44.dev20260713+nightly
codegen_flags: <defaults>
</compile_context>

<pallas_src>
import functools

import jax
import jax.numpy as jnp
from jax import lax
from jax.experimental import pallas as pl
from jax.experimental.pallas import tpu as pltpu
from jax.experimental.pallas import tpu_sc as plsc

N = 10000
C = 128
O = 128
K = 32

NC = 2
NS = 16
NW = NC * NS
NPW = 320
NPAD = NW * NPW
G = 2
R = G * K
NG = NPW // G
LANES = 16
NCH = O // LANES


def _mm_body(x_ref, wa_ref, wb_ref, a_ref, b_ref):
    xb = x_ref[...]
    a_ref[...] = jnp.dot(xb, wa_ref[...], preferred_element_type=jnp.float32)
    b_ref[...] = jnp.dot(xb, wb_ref[...], preferred_element_type=jnp.float32)


def _node_tables(xt, wa, wb):
    blk = 2000
    grid = (N // blk,)
    return pl.pallas_call(
        _mm_body,
        grid=grid,
        in_specs=[
            pl.BlockSpec((blk, C), lambda i: (i, 0)),
            pl.BlockSpec((C, O), lambda i: (0, 0)),
            pl.BlockSpec((C, O), lambda i: (0, 0)),
        ],
        out_specs=[
            pl.BlockSpec((blk, O), lambda i: (i, 0)),
            pl.BlockSpec((blk, O), lambda i: (i, 0)),
        ],
        out_shape=[
            jax.ShapeDtypeStruct((N, O), jnp.float32),
            jax.ShapeDtypeStruct((N, O), jnp.float32),
        ],
    )(xt, wa, wb)


def _tree_max(vs):
    while len(vs) > 1:
        nxt = [jnp.maximum(vs[i], vs[i + 1]) for i in range(0, len(vs) - 1, 2)]
        if len(vs) % 2:
            nxt.append(vs[-1])
        vs = nxt
    return vs[0]


def _sc_body(a_hbm, b_hbm, idx1_hbm, idx0_hbm, bias_hbm, out_hbm,
             idx1_v, idx0_v, bias_v, out_v,
             buf_a0, buf_b0, buf_a1, buf_b1,
             sem_a0, sem_b0, sem_a1, sem_b1):
    wid = lax.axis_index("s") * NC + lax.axis_index("c")

    pltpu.sync_copy(idx1_hbm.at[wid], idx1_v)
    pltpu.sync_copy(idx0_hbm.at[wid], idx0_v)
    pltpu.sync_copy(bias_hbm, bias_v)

    def start(g, idx_v, table, buf, sem):
        return pltpu.async_copy(table.at[idx_v.at[g]], buf, sem)

    def wait(g, idx_v, table, buf, sem):
        pltpu.make_async_copy(table.at[idx_v.at[g]], buf, sem).wait()

    def compute(g, buf_a, buf_b):
        for j in range(G):
            base = j * K

            def row_body(r, accs):
                return tuple(
                    jnp.maximum(accs[c],
                                buf_a[base + r, pl.ds(c * LANES, LANES)]
                                + buf_b[base + r, pl.ds(c * LANES, LANES)])
                    for c in range(NCH))

            init = tuple(buf_a[base, pl.ds(c * LANES, LANES)]
                         + buf_b[base, pl.ds(c * LANES, LANES)]
                         for c in range(NCH))
            accs = lax.fori_loop(1, K, row_body, init)
            for c in range(NCH):
                sl = pl.ds(c * LANES, LANES)
                m = jnp.maximum(accs[c] + bias_v[sl], 0.0)
                out_v[pl.ds((g * G + j) * O + c * LANES, LANES)] = m

    start(0, idx1_v, a_hbm, buf_a0, sem_a0)
    start(0, idx0_v, b_hbm, buf_b0, sem_b0)

    def body(g2, carry):
        g0 = 2 * g2
        g1 = g0 + 1
        start(g1, idx1_v, a_hbm, buf_a1, sem_a1)
        start(g1, idx0_v, b_hbm, buf_b1, sem_b1)
        wait(g0, idx1_v, a_hbm, buf_a0, sem_a0)
        wait(g0, idx0_v, b_hbm, buf_b0, sem_b0)
        compute(g0, buf_a0, buf_b0)
        start(g0 + 2, idx1_v, a_hbm, buf_a0, sem_a0)
        start(g0 + 2, idx0_v, b_hbm, buf_b0, sem_b0)
        wait(g1, idx1_v, a_hbm, buf_a1, sem_a1)
        wait(g1, idx0_v, b_hbm, buf_b1, sem_b1)
        compute(g1, buf_a1, buf_b1)
        return carry

    lax.fori_loop(0, NG // 2, body, 0)

    wait(NG, idx1_v, a_hbm, buf_a0, sem_a0)
    wait(NG, idx0_v, b_hbm, buf_b0, sem_b0)

    pltpu.sync_copy(out_v, out_hbm.at[wid])


@functools.partial(
    pl.kernel,
    out_type=jax.ShapeDtypeStruct((NW, NPW * O), jnp.float32),
    mesh=plsc.VectorSubcoreMesh(core_axis_name="c", subcore_axis_name="s"),
    scratch_types=[
        pltpu.VMEM((NG + 1, R), jnp.int32),
        pltpu.VMEM((NG + 1, R), jnp.int32),
        pltpu.VMEM((O,), jnp.float32),
        pltpu.VMEM((NPW * O,), jnp.float32),
        pltpu.VMEM((R, O), jnp.float32),
        pltpu.VMEM((R, O), jnp.float32),
        pltpu.VMEM((R, O), jnp.float32),
        pltpu.VMEM((R, O), jnp.float32),
        pltpu.SemaphoreType.DMA,
        pltpu.SemaphoreType.DMA,
        pltpu.SemaphoreType.DMA,
        pltpu.SemaphoreType.DMA,
    ],
)
def _sc_gather_max(a_hbm, b_hbm, idx1_hbm, idx0_hbm, bias_hbm, out_hbm,
                   *rest):
    _sc_body(a_hbm, b_hbm, idx1_hbm, idx0_hbm, bias_hbm, out_hbm, *rest)


def kernel(x, edge_index, W, b):
    xt = x[0, :, :, 0].T
    w1 = W[:, :C]
    w2 = W[:, C:]
    wa = (w1 - w2).T
    wb = w2.T

    a_tab, b_tab = _node_tables(xt, wa, wb)

    ei = edge_index.astype(jnp.int32).reshape(2, N * K)
    pad = NPAD * K - N * K
    idx1 = jnp.pad(ei[1], (0, pad)).reshape(NW, NG, R)
    idx0 = jnp.pad(ei[0], (0, pad)).reshape(NW, NG, R)
    zrow = jnp.zeros((NW, 1, R), jnp.int32)
    idx1 = jnp.concatenate([idx1, zrow], axis=1)
    idx0 = jnp.concatenate([idx0, zrow], axis=1)

    out = _sc_gather_max(a_tab, b_tab, idx1, idx0, b)
    out = out.reshape(NPAD, O)[:N].T
    return out[None]

# --- scband reference (transcript-rebuilt; emitter-appended) ---
"""Pipeline reference for scband-edge-conv2d-75179107549327 (READ-ONLY COPY).

The authoritative reference and input builder live on the scoring server;
editing this copy changes nothing except your own understanding.
"""

import jax, jax.numpy as jnp
import numpy as np


def batched_index_select(x, idx):
    # x: [B, C, N, 1], idx: [B, N, k] -> [B, C, N, k]
    B, C, N = x.shape[:3]
    k = idx.shape[-1]
    idx_base = jnp.arange(B, dtype=idx.dtype).reshape(-1, 1, 1) * N
    idx_flat = (idx + idx_base).reshape(-1)
    xt = jnp.transpose(x, (0, 2, 1, 3)).reshape(B * N, -1)  # [B*N, C]
    feat = jnp.take(xt, idx_flat, axis=0).reshape(B, N, k, C)
    return jnp.transpose(feat, (0, 3, 1, 2))


def setup_inputs(seed: int = 0) -> dict:
    key = jax.random.key(seed)
    k1, k2, k3, k4 = jax.random.split(key, 4)
    B, C, N, K, O = 1, 128, 10000, 32, 128
    x = jax.random.normal(k1, (B, C, N, 1), dtype=jnp.float32)
    edge_index = jax.random.randint(k2, (2, B, N, K), 0, N, dtype=jnp.int64 if jax.config.jax_enable_x64 else jnp.int32)
    # Conv2d(2C, O, kernel_size=1, bias=True) weights
    W = jax.random.normal(k3, (O, 2 * C), dtype=jnp.float32) * (1.0 / np.sqrt(2 * C))
    b = jax.random.normal(k4, (O,), dtype=jnp.float32) * 0.01
    return {"x": x, "edge_index": edge_index, "W": W, "b": b}


def reference(x, edge_index, W, b):
    # EdgeConv2d forward: gather x_i (dst), x_j (src), 1x1 conv on [x_i, x_j - x_i], ReLU, max over neighbors
    x_i = batched_index_select(x, edge_index[1])  # [B, C, N, k]
    x_j = batched_index_select(x, edge_index[0])  # [B, C, N, k]
    feat = jnp.concatenate([x_i, x_j - x_i], axis=1)  # [B, 2C, N, k]
    out = jnp.einsum('oc,bcnk->bonk', W, feat) + b[None, :, None, None]
    out = jax.nn.relu(out)  # norm=None -> Identity; act='relu'
    max_value = jnp.max(out, axis=-1, keepdims=True)  # [B, O, N, 1]
    return jnp.squeeze(max_value, axis=-1)  # [B, O, N]

if __name__ == "__main__":
    import jax
    _d = setup_inputs()
    print(jax.jit(kernel)(*tuple(_d.values())))

</pallas_src>

<mosaic_0001>
#map = affine_map<(d0, d1) -> (0, 0)>
#map1 = affine_map<(d0, d1) -> (0, 0, 0)>
#map2 = affine_map<(d0, d1) -> (0)>
module attributes {stable_mosaic.version = 14 : i64} {
  func.func @_sc_gather_max(%arg0: i32, %arg1: i32, %arg2: memref<10000x128xf32, #tpu.memory_space<hbm>>, %arg3: memref<10000x128xf32, #tpu.memory_space<hbm>>, %arg4: memref<32x161x64xi32, #tpu.memory_space<hbm>>, %arg5: memref<32x161x64xi32, #tpu.memory_space<hbm>>, %arg6: memref<128xf32, #tpu.memory_space<hbm>>, %arg7: memref<32x40960xf32, #tpu.memory_space<hbm>>, %arg8: memref<161x64xi32, #tpu.memory_space<vmem>>, %arg9: memref<161x64xi32, #tpu.memory_space<vmem>>, %arg10: memref<128xf32, #tpu.memory_space<vmem>>, %arg11: memref<40960xf32, #tpu.memory_space<vmem>>, %arg12: memref<64x128xf32, #tpu.memory_space<vmem>>, %arg13: memref<64x128xf32, #tpu.memory_space<vmem>>, %arg14: memref<64x128xf32, #tpu.memory_space<vmem>>, %arg15: memref<64x128xf32, #tpu.memory_space<vmem>>, %arg16: memref<!tpu.dma_semaphore, #tpu.memory_space<semaphore_mem>>, %arg17: memref<!tpu.dma_semaphore, #tpu.memory_space<semaphore_mem>>, %arg18: memref<!tpu.dma_semaphore, #tpu.memory_space<semaphore_mem>>, %arg19: memref<!tpu.dma_semaphore, #tpu.memory_space<semaphore_mem>>) attributes {dimension_semantics = [#tpu.dimension_semantics<core_parallel>, #tpu.dimension_semantics<subcore_parallel>], iteration_bounds = array<i64: 2, 16>, scalar_prefetch = 0 : i64, scratch_operands = 12 : i64, tpu.core_type = #tpu.core_type<sc_vector_subcore>, window_params = [{transform_indices = #map}, {transform_indices = #map}, {transform_indices = #map1}, {transform_indices = #map1}, {transform_indices = #map2}, {transform_indices = #map}]} {
    %mul3A = arith.constant 2 : i32
    %mul3A_0 = arith.muli %arg1, %mul3A : i32
    %add3A = arith.addi %mul3A_0, %arg0 : i32
    "tpu.region"() ({
      %run_scoped3A = tpu.sem_alloc : memref<!tpu.dma_semaphore, #tpu.memory_space<semaphore_mem>>
      %dma_start3A_32 = arith.constant 0 : i32
      %dma_start3A_33 = arith.constant 0 : i32
      %dma_start3A_34 = tpu.memref_slice %arg4[%add3A, %dma_start3A_32, %dma_start3A_33] : memref<32x161x64xi32, #tpu.memory_space<hbm>> -> memref<1x161x64xi32, #tpu.memory_space<hbm>>
      %dma_start3A_35 = tpu.memref_squeeze %dma_start3A_34 : memref<1x161x64xi32, #tpu.memory_space<hbm>> -> memref<161x64xi32, #tpu.memory_space<hbm>>
      %dma_start3A_36 = arith.constant 0 : i32
      %dma_start3A_37 = arith.constant 0 : i32
      %dma_start3A_38 = tpu.memref_slice %arg4[%add3A, %dma_start3A_36, %dma_start3A_37] : memref<32x161x64xi32, #tpu.memory_space<hbm>> -> memref<1x161x64xi32, #tpu.memory_space<hbm>>
      %dma_start3A_39 = tpu.memref_squeeze %dma_start3A_38 : memref<1x161x64xi32, #tpu.memory_space<hbm>> -> memref<161x64xi32, #tpu.memory_space<hbm>>
      tpu.enqueue_dma source(%dma_start3A_39 : memref<161x64xi32, #tpu.memory_space<hbm>>) target(%arg8 : memref<161x64xi32, #tpu.memory_space<vmem>>) target_semaphore(%run_scoped3A : memref<!tpu.dma_semaphore, #tpu.memory_space<semaphore_mem>>)
      %dma_wait3A_40 = arith.constant 0 : i32
      %dma_wait3A_41 = arith.constant 0 : i32
      %dma_wait3A_42 = tpu.memref_slice %arg4[%add3A, %dma_wait3A_40, %dma_wait3A_41] : memref<32x161x64xi32, #tpu.memory_space<hbm>> -> memref<1x161x64xi32, #tpu.memory_space<hbm>>
      %dma_wait3A_43 = tpu.memref_squeeze %dma_wait3A_42 : memref<1x161x64xi32, #tpu.memory_space<hbm>> -> memref<161x64xi32, #tpu.memory_space<hbm>>
      %dma_wait3A_44 = arith.constant 0 : i32
      %dma_wait3A_45 = arith.constant 0 : i32
      %dma_wait3A_46 = tpu.memref_slice %arg4[%add3A, %dma_wait3A_44, %dma_wait3A_45] : memref<32x161x64xi32, #tpu.memory_space<hbm>> -> memref<1x161x64xi32, #tpu.memory_space<hbm>>
      %dma_wait3A_47 = tpu.memref_squeeze %dma_wait3A_46 : memref<1x161x64xi32, #tpu.memory_space<hbm>> -> memref<161x64xi32, #tpu.memory_space<hbm>>
      tpu.wait_dma2 semaphore(%run_scoped3A : memref<!tpu.dma_semaphore, #tpu.memory_space<semaphore_mem>>) src(%dma_wait3A_47 : memref<161x64xi32, #tpu.memory_space<hbm>>) dst(%arg8 : memref<161x64xi32, #tpu.memory_space<vmem>>)
      tpu.yield
    }) : () -> ()
    "tpu.region"() ({
      %run_scoped3A = tpu.sem_alloc : memref<!tpu.dma_semaphore, #tpu.memory_space<semaphore_mem>>
      %dma_start3A_32 = arith.constant 0 : i32
      %dma_start3A_33 = arith.constant 0 : i32
      %dma_start3A_34 = tpu.memref_slice %arg5[%add3A, %dma_start3A_32, %dma_start3A_33] : memref<32x161x64xi32, #tpu.memory_space<hbm>> -> memref<1x161x64xi32, #tpu.memory_space<hbm>>
      %dma_start3A_35 = tpu.memref_squeeze %dma_start3A_34 : memref<1x161x64xi32, #tpu.memory_space<hbm>> -> memref<161x64xi32, #tpu.memory_space<hbm>>
      %dma_start3A_36 = arith.constant 0 : i32
      %dma_start3A_37 = arith.constant 0 : i32
      %dma_start3A_38 = tpu.memref_slice %arg5[%add3A, %dma_start3A_36, %dma_start3A_37] : memref<32x161x64xi32, #tpu.memory_space<hbm>> -> memref<1x161x64xi32, #tpu.memory_space<hbm>>
      %dma_start3A_39 = tpu.memref_squeeze %dma_start3A_38 : memref<1x161x64xi32, #tpu.memory_space<hbm>> -> memref<161x64xi32, #tpu.memory_space<hbm>>
      tpu.enqueue_dma source(%dma_start3A_39 : memref<161x64xi32, #tpu.memory_space<hbm>>) target(%arg9 : memref<161x64xi32, #tpu.memory_space<vmem>>) target_semaphore(%run_scoped3A : memref<!tpu.dma_semaphore, #tpu.memory_space<semaphore_mem>>)
      %dma_wait3A_40 = arith.constant 0 : i32
      %dma_wait3A_41 = arith.constant 0 : i32
      %dma_wait3A_42 = tpu.memref_slice %arg5[%add3A, %dma_wait3A_40, %dma_wait3A_41] : memref<32x161x64xi32, #tpu.memory_space<hbm>> -> memref<1x161x64xi32, #tpu.memory_space<hbm>>
      %dma_wait3A_43 = tpu.memref_squeeze %dma_wait3A_42 : memref<1x161x64xi32, #tpu.memory_space<hbm>> -> memref<161x64xi32, #tpu.memory_space<hbm>>
      %dma_wait3A_44 = arith.constant 0 : i32
      %dma_wait3A_45 = arith.constant 0 : i32
      %dma_wait3A_46 = tpu.memref_slice %arg5[%add3A, %dma_wait3A_44, %dma_wait3A_45] : memref<32x161x64xi32, #tpu.memory_space<hbm>> -> memref<1x161x64xi32, #tpu.memory_space<hbm>>
      %dma_wait3A_47 = tpu.memref_squeeze %dma_wait3A_46 : memref<1x161x64xi32, #tpu.memory_space<hbm>> -> memref<161x64xi32, #tpu.memory_space<hbm>>
      tpu.wait_dma2 semaphore(%run_scoped3A : memref<!tpu.dma_semaphore, #tpu.memory_space<semaphore_mem>>) src(%dma_wait3A_47 : memref<161x64xi32, #tpu.memory_space<hbm>>) dst(%arg9 : memref<161x64xi32, #tpu.memory_space<vmem>>)
      tpu.yield
    }) : () -> ()
    "tpu.region"() ({
      %run_scoped3A = tpu.sem_alloc : memref<!tpu.dma_semaphore, #tpu.memory_space<semaphore_mem>>
      tpu.enqueue_dma source(%arg6 : memref<128xf32, #tpu.memory_space<hbm>>) target(%arg10 : memref<128xf32, #tpu.memory_space<vmem>>) target_semaphore(%run_scoped3A : memref<!tpu.dma_semaphore, #tpu.memory_space<semaphore_mem>>)
      tpu.wait_dma2 semaphore(%run_scoped3A : memref<!tpu.dma_semaphore, #tpu.memory_space<semaphore_mem>>) src(%arg6 : memref<128xf32, #tpu.memory_space<hbm>>) dst(%arg10 : memref<128xf32, #tpu.memory_space<vmem>>)
      tpu.yield
    }) : () -> ()
    %dma_start3A = arith.constant 0 : i32
    %dma_start3A_1 = arith.constant 0 : i32
    %dma_start3A_2 = tpu.memref_slice %arg8[%dma_start3A, %dma_start3A_1] : memref<161x64xi32, #tpu.memory_space<vmem>> -> memref<1x64xi32, #tpu.memory_space<vmem>>
    %dma_start3A_3 = tpu.memref_squeeze %dma_start3A_2 : memref<1x64xi32, #tpu.memory_space<vmem>> -> memref<64xi32, #tpu.memory_space<vmem>>
    %dma_start3A_4 = arith.constant 0 : i32
    %dma_start3A_5 = arith.constant 0 : i32
    %dma_start3A_6 = tpu.memref_slice %arg2[%dma_start3A_4, %dma_start3A_5] : memref<10000x128xf32, #tpu.memory_space<hbm>> -> memref<10000x128xf32, #tpu.memory_space<hbm>>
    tpu.enqueue_indirect_dma source(%dma_start3A_6 : memref<10000x128xf32, #tpu.memory_space<hbm>>) target(%arg12 : memref<64x128xf32, #tpu.memory_space<vmem>>) offsets(%dma_start3A_3 : memref<64xi32, #tpu.memory_space<vmem>>) semaphore(%arg16 : memref<!tpu.dma_semaphore, #tpu.memory_space<semaphore_mem>>)
    %dma_start3A_7 = arith.constant 0 : i32
    %dma_start3A_8 = arith.constant 0 : i32
    %dma_start3A_9 = tpu.memref_slice %arg9[%dma_start3A_7, %dma_start3A_8] : memref<161x64xi32, #tpu.memory_space<vmem>> -> memref<1x64xi32, #tpu.memory_space<vmem>>
    %dma_start3A_10 = tpu.memref_squeeze %dma_start3A_9 : memref<1x64xi32, #tpu.memory_space<vmem>> -> memref<64xi32, #tpu.memory_space<vmem>>
    %dma_start3A_11 = arith.constant 0 : i32
    %dma_start3A_12 = arith.constant 0 : i32
    %dma_start3A_13 = tpu.memref_slice %arg3[%dma_start3A_11, %dma_start3A_12] : memref<10000x128xf32, #tpu.memory_space<hbm>> -> memref<10000x128xf32, #tpu.memory_space<hbm>>
    tpu.enqueue_indirect_dma source(%dma_start3A_13 : memref<10000x128xf32, #tpu.memory_space<hbm>>) target(%arg13 : memref<64x128xf32, #tpu.memory_space<vmem>>) offsets(%dma_start3A_10 : memref<64xi32, #tpu.memory_space<vmem>>) semaphore(%arg17 : memref<!tpu.dma_semaphore, #tpu.memory_space<semaphore_mem>>)
    %scan3A = arith.constant 0 : i32
    %scan3A_14 = arith.constant 0 : i32
    %scan3A_15 = arith.constant 80 : i32
    %scan3A_16 = arith.addi %scan3A_14, %scan3A_15 : i32
    %scan3A_17 = arith.constant 1 : i32
    scf.for %scan3A_32 = %scan3A_14 to %scan3A_16 step %scan3A_17  : i32 {
      %mul3A_33 = arith.constant 2 : i32
      %mul3A_34 = arith.muli %mul3A_33, %scan3A_32 : i32
      %add3A_35 = arith.constant 1 : i32
      %add3A_36 = arith.addi %mul3A_34, %add3A_35 : i32
      %dma_start3A_37 = arith.constant 0 : i32
      %dma_start3A_38 = tpu.memref_slice %arg8[%add3A_36, %dma_start3A_37] : memref<161x64xi32, #tpu.memory_space<vmem>> -> memref<1x64xi32, #tpu.memory_space<vmem>>
      %dma_start3A_39 = tpu.memref_squeeze %dma_start3A_38 : memref<1x64xi32, #tpu.memory_space<vmem>> -> memref<64xi32, #tpu.memory_space<vmem>>
      %dma_start3A_40 = arith.constant 0 : i32
      %dma_start3A_41 = arith.constant 0 : i32
      %dma_start3A_42 = tpu.memref_slice %arg2[%dma_start3A_40, %dma_start3A_41] : memref<10000x128xf32, #tpu.memory_space<hbm>> -> memref<10000x128xf32, #tpu.memory_space<hbm>>
      tpu.enqueue_indirect_dma source(%dma_start3A_42 : memref<10000x128xf32, #tpu.memory_space<hbm>>) target(%arg14 : memref<64x128xf32, #tpu.memory_space<vmem>>) offsets(%dma_start3A_39 : memref<64xi32, #tpu.memory_space<vmem>>) semaphore(%arg18 : memref<!tpu.dma_semaphore, #tpu.memory_space<semaphore_mem>>)
      %dma_start3A_43 = arith.constant 0 : i32
      %dma_start3A_44 = tpu.memref_slice %arg9[%add3A_36, %dma_start3A_43] : memref<161x64xi32, #tpu.memory_space<vmem>> -> memref<1x64xi32, #tpu.memory_space<vmem>>
      %dma_start3A_45 = tpu.memref_squeeze %dma_start3A_44 : memref<1x64xi32, #tpu.memory_space<vmem>> -> memref<64xi32, #tpu.memory_space<vmem>>
      %dma_start3A_46 = arith.constant 0 : i32
      %dma_start3A_47 = arith.constant 0 : i32
      %dma_start3A_48 = tpu.memref_slice %arg3[%dma_start3A_46, %dma_start3A_47] : memref<10000x128xf32, #tpu.memory_space<hbm>> -> memref<10000x128xf32, #tpu.memory_space<hbm>>
      tpu.enqueue_indirect_dma source(%dma_start3A_48 : memref<10000x128xf32, #tpu.memory_space<hbm>>) target(%arg15 : memref<64x128xf32, #tpu.memory_space<vmem>>) offsets(%dma_start3A_45 : memref<64xi32, #tpu.memory_space<vmem>>) semaphore(%arg19 : memref<!tpu.dma_semaphore, #tpu.memory_space<semaphore_mem>>)
      %dma_wait3A_49 = arith.constant 0 : i32
      %dma_wait3A_50 = tpu.memref_slice %arg8[%mul3A_34, %dma_wait3A_49] : memref<161x64xi32, #tpu.memory_space<vmem>> -> memref<1x64xi32, #tpu.memory_space<vmem>>
      %dma_wait3A_51 = tpu.memref_squeeze %dma_wait3A_50 : memref<1x64xi32, #tpu.memory_space<vmem>> -> memref<64xi32, #tpu.memory_space<vmem>>
      %dma_wait3A_52 = arith.constant 0 : i32
      %dma_wait3A_53 = arith.constant 0 : i32
      %dma_wait3A_54 = tpu.memref_slice %arg2[%dma_wait3A_52, %dma_wait3A_53] : memref<10000x128xf32, #tpu.memory_space<hbm>> -> memref<10000x128xf32, #tpu.memory_space<hbm>>
      tpu.wait_indirect_dma semaphore(%arg16 : memref<!tpu.dma_semaphore, #tpu.memory_space<semaphore_mem>>) src(%dma_wait3A_54 : memref<10000x128xf32, #tpu.memory_space<hbm>>) dst(%arg12 : memref<64x128xf32, #tpu.memory_space<vmem>>)
      %dma_wait3A_55 = arith.constant 0 : i32
      %dma_wait3A_56 = tpu.memref_slice %arg9[%mul3A_34, %dma_wait3A_55] : memref<161x64xi32, #tpu.memory_space<vmem>> -> memref<1x64xi32, #tpu.memory_space<vmem>>
      %dma_wait3A_57 = tpu.memref_squeeze %dma_wait3A_56 : memref<1x64xi32, #tpu.memory_space<vmem>> -> memref<64xi32, #tpu.memory_space<vmem>>
      %dma_wait3A_58 = arith.constant 0 : i32
      %dma_wait3A_59 = arith.constant 0 : i32
      %dma_wait3A_60 = tpu.memref_slice %arg3[%dma_wait3A_58, %dma_wait3A_59] : memref<10000x128xf32, #tpu.memory_space<hbm>> -> memref<10000x128xf32, #tpu.memory_space<hbm>>
      tpu.wait_indirect_dma semaphore(%arg17 : memref<!tpu.dma_semaphore, #tpu.memory_space<semaphore_mem>>) src(%dma_wait3A_60 : memref<10000x128xf32, #tpu.memory_space<hbm>>) dst(%arg13 : memref<64x128xf32, #tpu.memory_space<vmem>>)
      %get3A = arith.constant 0 : i32
      %get3A_61 = arith.index_cast %get3A : i32 to index
      %get3A_62 = arith.constant 0 : index
      %get3A_63 = tpu.vector_load %arg12[%get3A_61, %get3A_62] {strides = array<i32>} : memref<64x128xf32, #tpu.memory_space<vmem>>, vector<1x16xf32>,
      %get3A_64 = vector.shape_cast %get3A_63 : vector<1x16xf32> to vector<16xf32>
      %get3A_65 = arith.constant 0 : i32
      %get3A_66 = arith.index_cast %get3A_65 : i32 to index
      %get3A_67 = arith.constant 0 : index
      %get3A_68 = tpu.vector_load %arg13[%get3A_66, %get3A_67] {strides = array<i32>} : memref<64x128xf32, #tpu.memory_space<vmem>>, vector<1x16xf32>,
      %get3A_69 = vector.shape_cast %get3A_68 : vector<1x16xf32> to vector<16xf32>
      %add3A_70 = arith.addf %get3A_64, %get3A_69 : vector<16xf32>
      %get3A_71 = arith.constant 0 : i32
      %get3A_72 = arith.index_cast %get3A_71 : i32 to index
      %get3A_73 = arith.constant 16 : index
      %get3A_74 = tpu.vector_load %arg12[%get3A_72, %get3A_73] {strides = array<i32>} : memref<64x128xf32, #tpu.memory_space<vmem>>, vector<1x16xf32>,
      %get3A_75 = vector.shape_cast %get3A_74 : vector<1x16xf32> to vector<16xf32>
      %get3A_76 = arith.constant 0 : i32
      %get3A_77 = arith.index_cast %get3A_76 : i32 to index
      %get3A_78 = arith.constant 16 : index
      %get3A_79 = tpu.vector_load %arg13[%get3A_77, %get3A_78] {strides = array<i32>} : memref<64x128xf32, #tpu.memory_space<vmem>>, vector<1x16xf32>,
      %get3A_80 = vector.shape_cast %get3A_79 : vector<1x16xf32> to vector<16xf32>
      %add3A_81 = arith.addf %get3A_75, %get3A_80 : vector<16xf32>
      %get3A_82 = arith.constant 0 : i32
      %get3A_83 = arith.index_cast %get3A_82 : i32 to index
      %get3A_84 = arith.constant 32 : index
      %get3A_85 = tpu.vector_load %arg12[%get3A_83, %get3A_84] {strides = array<i32>} : memref<64x128xf32, #tpu.memory_space<vmem>>, vector<1x16xf32>,
      %get3A_86 = vector.shape_cast %get3A_85 : vector<1x16xf32> to vector<16xf32>
      %get3A_87 = arith.constant 0 : i32
      %get3A_88 = arith.index_cast %get3A_87 : i32 to index
      %get3A_89 = arith.constant 32 : index
      %get3A_90 = tpu.vector_load %arg13[%get3A_88, %get3A_89] {strides = array<i32>} : memref<64x128xf32, #tpu.memory_space<vmem>>, vector<1x16xf32>,
      %get3A_91 = vector.shape_cast %get3A_90 : vector<1x16xf32> to vector<16xf32>
      %add3A_92 = arith.addf %get3A_86, %get3A_91 : vector<16xf32>
      %get3A_93 = arith.constant 0 : i32
      %get3A_94 = arith.index_cast %get3A_93 : i32 to index
      %get3A_95 = arith.constant 48 : index
      %get3A_96 = tpu.vector_load %arg12[%get3A_94, %get3A_95] {strides = array<i32>} : memref<64x128xf32, #tpu.memory_space<vmem>>, vector<1x16xf32>,
      %get3A_97 = vector.shape_cast %get3A_96 : vector<1x16xf32> to vector<16xf32>
      %get3A_98 = arith.constant 0 : i32
      %get3A_99 = arith.index_cast %get3A_98 : i32 to index
      %get3A_100 = arith.constant 48 : index
      %get3A_101 = tpu.vector_load %arg13[%get3A_99, %get3A_100] {strides = array<i32>} : memref<64x128xf32, #tpu.memory_space<vmem>>, vector<1x16xf32>,
      %get3A_102 = vector.shape_cast %get3A_101 : vector<1x16xf32> to vector<16xf32>
      %add3A_103 = arith.addf %get3A_97, %get3A_102 : vector<16xf32>
      %get3A_104 = arith.constant 0 : i32
      %get3A_105 = arith.index_cast %get3A_104 : i32 to index
      %get3A_106 = arith.constant 64 : index
      %get3A_107 = tpu.vector_load %arg12[%get3A_105, %get3A_106] {strides = array<i32>} : memref<64x128xf32, #tpu.memory_space<vmem>>, vector<1x16xf32>,
      %get3A_108 = vector.shape_cast %get3A_107 : vector<1x16xf32> to vector<16xf32>
      %get3A_109 = arith.constant 0 : i32
      %get3A_110 = arith.index_cast %get3A_109 : i32 to index
      %get3A_111 = arith.constant 64 : index
      %get3A_112 = tpu.vector_load %arg13[%get3A_110, %get3A_111] {strides = array<i32>} : memref<64x128xf32, #tpu.memory_space<vmem>>, vector<1x16xf32>,
      %get3A_113 = vector.shape_cast %get3A_112 : vector<1x16xf32> to vector<16xf32>
      %add3A_114 = arith.addf %get3A_108, %get3A_113 : vector<16xf32>
      %get3A_115 = arith.constant 0 : i32
      %get3A_116 = arith.index_cast %get3A_115 : i32 to index
      %get3A_117 = arith.constant 80 : index
      %get3A_118 = tpu.vector_load %arg12[%get3A_116, %get3A_117] {strides = array<i32>} : memref<64x128xf32, #tpu.memory_space<vmem>>, vector<1x16xf32>,
      %get3A_119 = vector.shape_cast %get3A_118 : vector<1x16xf32> to vector<16xf32>
      %get3A_120 = arith.constant 0 : i32
      %get3A_121 = arith.index_cast %get3A_120 : i32 to index
      %get3A_122 = arith.constant 80 : index
      %get3A_123 = tpu.vector_load %arg13[%get3A_121, %get3A_122] {strides = array<i32>} : memref<64x128xf32, #tpu.memory_space<vmem>>, vector<1x16xf32>,
      %get3A_124 = vector.shape_cast %get3A_123 : vector<1x16xf32> to vector<16xf32>
      %add3A_125 = arith.addf %get3A_119, %get3A_124 : vector<16xf32>
      %get3A_126 = arith.constant 0 : i32
      %get3A_127 = arith.index_cast %get3A_126 : i32 to index
      %get3A_128 = arith.constant 96 : index
      %get3A_129 = tpu.vector_load %arg12[%get3A_127, %get3A_128] {strides = array<i32>} : memref<64x128xf32, #tpu.memory_space<vmem>>, vector<1x16xf32>,
      %get3A_130 = vector.shape_cast %get3A_129 : vector<1x16xf32> to vector<16xf32>
      %get3A_131 = arith.constant 0 : i32
      %get3A_132 = arith.index_cast %get3A_131 : i32 to index
      %get3A_133 = arith.constant 96 : index
      %get3A_134 = tpu.vector_load %arg13[%get3A_132, %get3A_133] {strides = array<i32>} : memref<64x128xf32, #tpu.memory_space<vmem>>, vector<1x16xf32>,
      %get3A_135 = vector.shape_cast %get3A_134 : vector<1x16xf32> to vector<16xf32>
      %add3A_136 = arith.addf %get3A_130, %get3A_135 : vector<16xf32>
      %get3A_137 = arith.constant 0 : i32
      %get3A_138 = arith.index_cast %get3A_137 : i32 to index
      %get3A_139 = arith.constant 112 : index
      %get3A_140 = tpu.vector_load %arg12[%get3A_138, %get3A_139] {strides = array<i32>} : memref<64x128xf32, #tpu.memory_space<vmem>>, vector<1x16xf32>,
      %get3A_141 = vector.shape_cast %get3A_140 : vector<1x16xf32> to vector<16xf32>
      %get3A_142 = arith.constant 0 : i32
      %get3A_143 = arith.index_cast %get3A_142 : i32 to index
      %get3A_144 = arith.constant 112 : index
      %get3A_145 = tpu.vector_load %arg13[%get3A_143, %get3A_144] {strides = array<i32>} : memref<64x128xf32, #tpu.memory_space<vmem>>, vector<1x16xf32>,
      %get3A_146 = vector.shape_cast %get3A_145 : vector<1x16xf32> to vector<16xf32>
      %add3A_147 = arith.addf %get3A_141, %get3A_146 : vector<16xf32>
      %scan3A_148 = arith.constant 1 : i32
      %scan3A_149 = arith.constant 31 : i32
      %scan3A_150 = arith.addi %scan3A_148, %scan3A_149 : i32
      %scan3A_151 = arith.constant 1 : i32
      %scan3A_152:8 = scf.for %scan3A_1070 = %scan3A_148 to %scan3A_150 step %scan3A_151 iter_args(%scan3A_1071 = %add3A_70, %scan3A_1072 = %add3A_81, %scan3A_1073 = %add3A_92, %scan3A_1074 = %add3A_103, %scan3A_1075 = %add3A_114, %scan3A_1076 = %add3A_125, %scan3A_1077 = %add3A_136, %scan3A_1078 = %add3A_147) -> (vector<16xf32>, vector<16xf32>, vector<16xf32>, vector<16xf32>, vector<16xf32>, vector<16xf32>, vector<16xf32>, vector<16xf32>)  : i32 {
        %add3A_1079 = arith.constant 0 : i32
        %add3A_1080 = arith.addi %add3A_1079, %scan3A_1070 : i32
        %get3A_1081 = arith.index_cast %add3A_1080 : i32 to index
        %get3A_1082 = arith.constant 0 : index
        %get3A_1083 = tpu.vector_load %arg12[%get3A_1081, %get3A_1082] {strides = array<i32>} : memref<64x128xf32, #tpu.memory_space<vmem>>, vector<1x16xf32>,
        %get3A_1084 = vector.shape_cast %get3A_1083 : vector<1x16xf32> to vector<16xf32>
        %add3A_1085 = arith.constant 0 : i32
        %add3A_1086 = arith.addi %add3A_1085, %scan3A_1070 : i32
        %get3A_1087 = arith.index_cast %add3A_1086 : i32 to index
        %get3A_1088 = arith.constant 0 : index
        %get3A_1089 = tpu.vector_load %arg13[%get3A_1087, %get3A_1088] {strides = array<i32>} : memref<64x128xf32, #tpu.memory_space<vmem>>, vector<1x16xf32>,
        %get3A_1090 = vector.shape_cast %get3A_1089 : vector<1x16xf32> to vector<16xf32>
        %add3A_1091 = arith.addf %get3A_1084, %get3A_1090 : vector<16xf32>
        %max3A_1092 = arith.maximumf %scan3A_1071, %add3A_1091 : vector<16xf32>
        %add3A_1093 = arith.constant 0 : i32
        %add3A_1094 = arith.addi %add3A_1093, %scan3A_1070 : i32
        %get3A_1095 = arith.index_cast %add3A_1094 : i32 to index
        %get3A_1096 = arith.constant 16 : index
        %get3A_1097 = tpu.vector_load %arg12[%get3A_1095, %get3A_1096] {strides = array<i32>} : memref<64x128xf32, #tpu.memory_space<vmem>>, vector<1x16xf32>,
        %get3A_1098 = vector.shape_cast %get3A_1097 : vector<1x16xf32> to vector<16xf32>
        %add3A_1099 = arith.constant 0 : i32
        %add3A_1100 = arith.addi %add3A_1099, %scan3A_1070 : i32
        %get3A_1101 = arith.index_cast %add3A_1100 : i32 to index
        %get3A_1102 = arith.constant 16 : index
        %get3A_1103 = tpu.vector_load %arg13[%get3A_1101, %get3A_1102] {strides = array<i32>} : memref<64x128xf32, #tpu.memory_space<vmem>>, vector<1x16xf32>,
        %get3A_1104 = vector.shape_cast %get3A_1103 : vector<1x16xf32> to vector<16xf32>
        %add3A_1105 = arith.addf %get3A_1098, %get3A_1104 : vector<16xf32>
        %max3A_1106 = arith.maximumf %scan3A_1072, %add3A_1105 : vector<16xf32>
        %add3A_1107 = arith.constant 0 : i32
        %add3A_1108 = arith.addi %add3A_1107, %scan3A_1070 : i32
        %get3A_1109 = arith.index_cast %add3A_1108 : i32 to index
        %get3A_1110 = arith.constant 32 : index
        %get3A_1111 = tpu.vector_load %arg12[%get3A_1109, %get3A_1110] {strides = array<i32>} : memref<64x128xf32, #tpu.memory_space<vmem>>, vector<1x16xf32>,
        %get3A_1112 = vector.shape_cast %get3A_1111 : vector<1x16xf32> to vector<16xf32>
        %add3A_1113 = arith.constant 0 : i32
        %add3A_1114 = arith.addi %add3A_1113, %scan3A_1070 : i32
        %get3A_1115 = arith.index_cast %add3A_1114 : i32 to index
        %get3A_1116 = arith.constant 32 : index
        %get3A_1117 = tpu.vector_load %arg13[%get3A_1115, %get3A_1116] {strides = array<i32>} : memref<64x128xf32, #tpu.memory_space<vmem>>, vector<1x16xf32>,
        %get3A_1118 = vector.shape_cast %get3A_1117 : vector<1x16xf32> to vector<16xf32>
        %add3A_1119 = arith.addf %get3A_1112, %get3A_1118 : vector<16xf32>
        %max3A_1120 = arith.maximumf %scan3A_1073, %add3A_1119 : vector<16xf32>
        %add3A_1121 = arith.constant 0 : i32
        %add3A_1122 = arith.addi %add3A_1121, %scan3A_1070 : i32
        %get3A_1123 = arith.index_cast %add3A_1122 : i32 to index
        %get3A_1124 = arith.constant 48 : index
        %get3A_1125 = tpu.vector_load %arg12[%get3A_1123, %get3A_1124] {strides = array<i32>} : memref<64x128xf32, #tpu.memory_space<vmem>>, vector<1x16xf32>,
        %get3A_1126 = vector.shape_cast %get3A_1125 : vector<1x16xf32> to vector<16xf32>
        %add3A_1127 = arith.constant 0 : i32
        %add3A_1128 = arith.addi %add3A_1127, %scan3A_1070 : i32
        %get3A_1129 = arith.index_cast %add3A_1128 : i32 to index
        %get3A_1130 = arith.constant 48 : index
        %get3A_1131 = tpu.vector_load %arg13[%get3A_1129, %get3A_1130] {strides = array<i32>} : memref<64x128xf32, #tpu.memory_space<vmem>>, vector<1x16xf32>,
        %get3A_1132 = vector.shape_cast %get3A_1131 : vector<1x16xf32> to vector<16xf32>
        %add3A_1133 = arith.addf %get3A_1126, %get3A_1132 : vector<16xf32>
        %max3A_1134 = arith.maximumf %scan3A_1074, %add3A_1133 : vector<16xf32>
        %add3A_1135 = arith.constant 0 : i32
        %add3A_1136 = arith.addi %add3A_1135, %scan3A_1070 : i32
        %get3A_1137 = arith.index_cast %add3A_1136 : i32 to index
        %get3A_1138 = arith.constant 64 : index
        %get3A_1139 = tpu.vector_load %arg12[%get3A_1137, %get3A_1138] {strides = array<i32>} : memref<64x128xf32, #tpu.memory_space<vmem>>, vector<1x16xf32>,
        %get3A_1140 = vector.shape_cast %get3A_1139 : vector<1x16xf32> to vector<16xf32>
        %add3A_1141 = arith.constant 0 : i32
        %add3A_1142 = arith.addi %add3A_1141, %scan3A_1070 : i32
        %get3A_1143 = arith.index_cast %add3A_1142 : i32 to index
        %get3A_1144 = arith.constant 64 : index
        %get3A_1145 = tpu.vector_load %arg13[%get3A_1143, %get3A_1144] {strides = array<i32>} : memref<64x128xf32, #tpu.memory_space<vmem>>, vector<1x16xf32>,
        %get3A_1146 = vector.shape_cast %get3A_1145 : vector<1x16xf32> to vector<16xf32>
        %add3A_1147 = arith.addf %get3A_1140, %get3A_1146 : vector<16xf32>
        %max3A_1148 = arith.maximumf %scan3A_1075, %add3A_1147 : vector<16xf32>
        %add3A_1149 = arith.constant 0 : i32
        %add3A_1150 = arith.addi %add3A_1149, %scan3A_1070 : i32
        %get3A_1151 = arith.index_cast %add3A_1150 : i32 to index
        %get3A_1152 = arith.constant 80 : index
        %get3A_1153 = tpu.vector_load %arg12[%get3A_1151, %get3A_1152] {strides = array<i32>} : memref<64x128xf32, #tpu.memory_space<vmem>>, vector<1x16xf32>,
        %get3A_1154 = vector.shape_cast %get3A_1153 : vector<1x16xf32> to vector<16xf32>
        %add3A_1155 = arith.constant 0 : i32
        %add3A_1156 = arith.addi %add3A_1155, %scan3A_1070 : i32
        %get3A_1157 = arith.index_cast %add3A_1156 : i32 to index
        %get3A_1158 = arith.constant 80 : index
        %get3A_1159 = tpu.vector_load %arg13[%get3A_1157, %get3A_1158] {strides = array<i32>} : memref<64x128xf32, #tpu.memory_space<vmem>>, vector<1x16xf32>,
        %get3A_1160 = vector.shape_cast %get3A_1159 : vector<1x16xf32> to vector<16xf32>
        %add3A_1161 = arith.addf %get3A_1154, %get3A_1160 : vector<16xf32>
        %max3A_1162 = arith.maximumf %scan3A_1076, %add3A_1161 : vector<16xf32>
        %add3A_1163 = arith.constant 0 : i32
        %add3A_1164 = arith.addi %add3A_1163, %scan3A_1070 : i32
        %get3A_1165 = arith.index_cast %add3A_1164 : i32 to index
        %get3A_1166 = arith.constant 96 : index
        %get3A_1167 = tpu.vector_load %arg12[%get3A_1165, %get3A_1166] {strides = array<i32>} : memref<64x128xf32, #tpu.memory_space<vmem>>, vector<1x16xf32>,
        %get3A_1168 = vector.shape_cast %get3A_1167 : vector<1x16xf32> to vector<16xf32>
        %add3A_1169 = arith.constant 0 : i32
        %add3A_1170 = arith.addi %add3A_1169, %scan3A_1070 : i32
        %get3A_1171 = arith.index_cast %add3A_1170 : i32 to index
        %get3A_1172 = arith.constant 96 : index
        %get3A_1173 = tpu.vector_load %arg13[%get3A_1171, %get3A_1172] {strides = array<i32>} : memref<64x128xf32, #tpu.memory_space<vmem>>, vector<1x16xf32>,
        %get3A_1174 = vector.shape_cast %get3A_1173 : vector<1x16xf32> to vector<16xf32>
        %add3A_1175 = arith.addf %get3A_1168, %get3A_1174 : vector<16xf32>
        %max3A_1176 = arith.maximumf %scan3A_1077, %add3A_1175 : vector<16xf32>
        %add3A_1177 = arith.constant 0 : i32
        %add3A_1178 = arith.addi %add3A_1177, %scan3A_1070 : i32
        %get3A_1179 = arith.index_cast %add3A_1178 : i32 to index
        %get3A_1180 = arith.constant 112 : index
        %get3A_1181 = tpu.vector_load %arg12[%get3A_1179, %get3A_1180] {strides = array<i32>} : memref<64x128xf32, #tpu.memory_space<vmem>>, vector<1x16xf32>,
        %get3A_1182 = vector.shape_cast %get3A_1181 : vector<1x16xf32> to vector<16xf32>
        %add3A_1183 = arith.constant 0 : i32
        %add3A_1184 = arith.addi %add3A_1183, %scan3A_1070 : i32
        %get3A_1185 = arith.index_cast %add3A_1184 : i32 to index
        %get3A_1186 = arith.constant 112 : index
        %get3A_1187 = tpu.vector_load %arg13[%get3A_1185, %get3A_1186] {strides = array<i32>} : memref<64x128xf32, #tpu.memory_space<vmem>>, vector<1x16xf32>,
        %get3A_1188 = vector.shape_cast %get3A_1187 : vector<1x16xf32> to vector<16xf32>
        %add3A_1189 = arith.addf %get3A_1182, %get3A_1188 : vector<16xf32>
        %max3A_1190 = arith.maximumf %scan3A_1078, %add3A_1189 : vector<16xf32>
        scf.yield %max3A_1092, %max3A_1106, %max3A_1120, %max3A_1134, %max3A_1148, %max3A_1162, %max3A_1176, %max3A_1190 : vector<16xf32>, vector<16xf32>, vector<16xf32>, vector<16xf32>, vector<16xf32>, vector<16xf32>, vector<16xf32>, vector<16xf32>
      }
      %scan3A_153 = arith.constant 31 : i32
      %get3A_154 = arith.constant 0 : index
      %get3A_155 = tpu.vector_load %arg10[%get3A_154] {strides = array<i32>} : memref<128xf32, #tpu.memory_space<vmem>>, vector<16xf32>,
      %get3A_156 = vector.shape_cast %get3A_155 : vector<16xf32> to vector<16xf32>
      %add3A_157 = arith.addf %scan3A_152#0, %get3A_156 : vector<16xf32>
      %max3A = arith.constant 0.000000e+00 : f32
      %max3A_158 = vector.broadcast %max3A : f32 to vector<16xf32>
      %max3A_159 = arith.maximumf %add3A_157, %max3A_158 : vector<16xf32>
      %mul3A_160 = arith.constant 2 : i32
      %mul3A_161 = arith.muli %mul3A_34, %mul3A_160 : i32
      %add3A_162 = arith.constant 0 : i32
      %add3A_163 = arith.addi %mul3A_161, %add3A_162 : i32
      %mul3A_164 = arith.constant 128 : i32
      %mul3A_165 = arith.muli %add3A_163, %mul3A_164 : i32
      %add3A_166 = arith.constant 0 : i32
      %add3A_167 = arith.addi %mul3A_165, %add3A_166 : i32
      %swap3A = arith.index_cast %add3A_167 : i32 to index
      %swap3A_168 = tpu.vector_load %arg11[%swap3A] {strides = array<i32>} : memref<40960xf32, #tpu.memory_space<vmem>>, vector<16xf32>,
      %swap3A_169 = vector.shape_cast %swap3A_168 : vector<16xf32> to vector<16xf32>
      %swap3A_170 = vector.shape_cast %max3A_159 : vector<16xf32> to vector<16xf32>
      tpu.vector_store %arg11[%swap3A], %swap3A_170 {strides = array<i32>} : memref<40960xf32, #tpu.memory_space<vmem>>, vector<16xf32>,
      %get3A_171 = arith.constant 16 : index
      %get3A_172 = tpu.vector_load %arg10[%get3A_171] {strides = array<i32>} : memref<128xf32, #tpu.memory_space<vmem>>, vector<16xf32>,
      %get3A_173 = vector.shape_cast %get3A_172 : vector<16xf32> to vector<16xf32>
      %add3A_174 = arith.addf %scan3A_152#1, %get3A_173 : vector<16xf32>
      %max3A_175 = arith.constant 0.000000e+00 : f32
      %max3A_176 = vector.broadcast %max3A_175 : f32 to vector<16xf32>
      %max3A_177 = arith.maximumf %add3A_174, %max3A_176 : vector<16xf32>
      %mul3A_178 = arith.constant 2 : i32
      %mul3A_179 = arith.muli %mul3A_34, %mul3A_178 : i32
      %add3A_180 = arith.constant 0 : i32
      %add3A_181 = arith.addi %mul3A_179, %add3A_180 : i32
      %mul3A_182 = arith.constant 128 : i32
      %mul3A_183 = arith.muli %add3A_181, %mul3A_182 : i32
      %add3A_184 = arith.constant 16 : i32
      %add3A_185 = arith.addi %mul3A_183, %add3A_184 : i32
      %swap3A_186 = arith.index_cast %add3A_185 : i32 to index
      %swap3A_187 = tpu.vector_load %arg11[%swap3A_186] {strides = array<i32>} : memref<40960xf32, #tpu.memory_space<vmem>>, vector<16xf32>,
      %swap3A_188 = vector.shape_cast %swap3A_187 : vector<16xf32> to vector<16xf32>
      %swap3A_189 = vector.shape_cast %max3A_177 : vector<16xf32> to vector<16xf32>
      tpu.vector_store %arg11[%swap3A_186], %swap3A_189 {strides = array<i32>} : memref<40960xf32, #tpu.memory_space<vmem>>, vector<16xf32>,
      %get3A_190 = arith.constant 32 : index
      %get3A_191 = tpu.vector_load %arg10[%get3A_190] {strides = array<i32>} : memref<128xf32, #tpu.memory_space<vmem>>, vector<16xf32>,
      %get3A_192 = vector.shape_cast %get3A_191 : vector<16xf32> to vector<16xf32>
      %add3A_193 = arith.addf %scan3A_152#2, %get3A_192 : vector<16xf32>
      %max3A_194 = arith.constant 0.000000e+00 : f32
      %max3A_195 = vector.broadcast %max3A_194 : f32 to vector<16xf32>
      %max3A_196 = arith.maximumf %add3A_193, %max3A_195 : vector<16xf32>
      %mul3A_197 = arith.constant 2 : i32
      %mul3A_198 = arith.muli %mul3A_34, %mul3A_197 : i32
      %add3A_199 = arith.constant 0 : i32
      %add3A_200 = arith.addi %mul3A_198, %add3A_199 : i32
      %mul3A_201 = arith.constant 128 : i32
      %mul3A_202 = arith.muli %add3A_200, %mul3A_201 : i32
      %add3A_203 = arith.constant 32 : i32
      %add3A_204 = arith.addi %mul3A_202, %add3A_203 : i32
      %swap3A_205 = arith.index_cast %add3A_204 : i32 to index
      %swap3A_206 = tpu.vector_load %arg11[%swap3A_205] {strides = array<i32>} : memref<40960xf32, #tpu.memory_space<vmem>>, vector<16xf32>,
      %swap3A_207 = vector.shape_cast %swap3A_206 : vector<16xf32> to vector<16xf32>
      %swap3A_208 = vector.shape_cast %max3A_196 : vector<16xf32> to vector<16xf32>
      tpu.vector_store %arg11[%swap3A_205], %swap3A_208 {strides = array<i32>} : memref<40960xf32, #tpu.memory_space<vmem>>, vector<16xf32>,
      %get3A_209 = arith.constant 48 : index
      %get3A_210 = tpu.vector_load %arg10[%get3A_209] {strides = array<i32>} : memref<128xf32, #tpu.memory_space<vmem>>, vector<16xf32>,
      %get3A_211 = vector.shape_cast %get3A_210 : vector<16xf32> to vector<16xf32>
      %add3A_212 = arith.addf %scan3A_152#3, %get3A_211 : vector<16xf32>
      %max3A_213 = arith.constant 0.000000e+00 : f32
      %max3A_214 = vector.broadcast %max3A_213 : f32 to vector<16xf32>
      %max3A_215 = arith.maximumf %add3A_212, %max3A_214 : vector<16xf32>
      %mul3A_216 = arith.constant 2 : i32
      %mul3A_217 = arith.muli %mul3A_34, %mul3A_216 : i32
      %add3A_218 = arith.constant 0 : i32
      %add3A_219 = arith.addi %mul3A_217, %add3A_218 : i32
      %mul3A_220 = arith.constant 128 : i32
      %mul3A_221 = arith.muli %add3A_219, %mul3A_220 : i32
      %add3A_222 = arith.constant 48 : i32
      %add3A_223 = arith.addi %mul3A_221, %add3A_222 : i32
      %swap3A_224 = arith.index_cast %add3A_223 : i32 to index
      %swap3A_225 = tpu.vector_load %arg11[%swap3A_224] {strides = array<i32>} : memref<40960xf32, #tpu.memory_space<vmem>>, vector<16xf32>,
      %swap3A_226 = vector.shape_cast %swap3A_225 : vector<16xf32> to vector<16xf32>
      %swap3A_227 = vector.shape_cast %max3A_215 : vector<16xf32> to vector<16xf32>
      tpu.vector_store %arg11[%swap3A_224], %swap3A_227 {strides = array<i32>} : memref<40960xf32, #tpu.memory_space<vmem>>, vector<16xf32>,
      %get3A_228 = arith.constant 64 : index
      %get3A_229 = tpu.vector_load %arg10[%get3A_228] {strides = array<i32>} : memref<128xf32, #tpu.memory_space<vmem>>, vector<16xf32>,
      %get3A_230 = vector.shape_cast %get3A_229 : vector<16xf32> to vector<16xf32>
      %add3A_231 = arith.addf %scan3A_152#4, %get3A_230 : vector<16xf32>
      %max3A_232 = arith.constant 0.000000e+00 : f32
      %max3A_233 = vector.broadcast %max3A_232 : f32 to vector<16xf32>
      %max3A_234 = arith.maximumf %add3A_231, %max3A_233 : vector<16xf32>
      %mul3A_235 = arith.constant 2 : i32
      %mul3A_236 = arith.muli %mul3A_34, %mul3A_235 : i32
      %add3A_237 = arith.constant 0 : i32
      %add3A_238 = arith.addi %mul3A_236, %add3A_237 : i32
      %mul3A_239 = arith.constant 128 : i32
      %mul3A_240 = arith.muli %add3A_238, %mul3A_239 : i32
      %add3A_241 = arith.constant 64 : i32
      %add3A_242 = arith.addi %mul3A_240, %add3A_241 : i32
      %swap3A_243 = arith.index_cast %add3A_242 : i32 to index
      %swap3A_244 = tpu.vector_load %arg11[%swap3A_243] {strides = array<i32>} : memref<40960xf32, #tpu.memory_space<vmem>>, vector<16xf32>,
      %swap3A_245 = vector.shape_cast %swap3A_244 : vector<16xf32> to vector<16xf32>
      %swap3A_246 = vector.shape_cast %max3A_234 : vector<16xf32> to vector<16xf32>
      tpu.vector_store %arg11[%swap3A_243], %swap3A_246 {strides = array<i32>} : memref<40960xf32, #tpu.memory_space<vmem>>, vector<16xf32>,
      %get3A_247 = arith.constant 80 : index
      %get3A_248 = tpu.vector_load %arg10[%get3A_247] {strides = array<i32>} : memref<128xf32, #tpu.memory_space<vmem>>, vector<16xf32>,
      %get3A_249 = vector.shape_cast %get3A_248 : vector<16xf32> to vector<16xf32>
      %add3A_250 = arith.addf %scan3A_152#5, %get3A_249 : vector<16xf32>
      %max3A_251 = arith.constant 0.000000e+00 : f32
      %max3A_252 = vector.broadcast %max3A_251 : f32 to vector<16xf32>
      %max3A_253 = arith.maximumf %add3A_250, %max3A_252 : vector<16xf32>
      %mul3A_254 = arith.constant 2 : i32
      %mul3A_255 = arith.muli %mul3A_34, %mul3A_254 : i32
      %add3A_256 = arith.constant 0 : i32
      %add3A_257 = arith.addi %mul3A_255, %add3A_256 : i32
      %mul3A_258 = arith.constant 128 : i32
      %mul3A_259 = arith.muli %add3A_257, %mul3A_258 : i32
      %add3A_260 = arith.constant 80 : i32
      %add3A_261 = arith.addi %mul3A_259, %add3A_260 : i32
      %swap3A_262 = arith.index_cast %add3A_261 : i32 to index
      %swap3A_263 = tpu.vector_load %arg11[%swap3A_262] {strides = array<i32>} : memref<40960xf32, #tpu.memory_space<vmem>>, vector<16xf32>,
      %swap3A_264 = vector.shape_cast %swap3A_263 : vector<16xf32> to vector<16xf32>
      %swap3A_265 = vector.shape_cast %max3A_253 : vector<16xf32> to vector<16xf32>
      tpu.vector_store %arg11[%swap3A_262], %swap3A_265 {strides = array<i32>} : memref<40960xf32, #tpu.memory_space<vmem>>, vector<16xf32>,
      %get3A_266 = arith.constant 96 : index
      %get3A_267 = tpu.vector_load %arg10[%get3A_266] {strides = array<i32>} : memref<128xf32, #tpu.memory_space<vmem>>, vector<16xf32>,
      %get3A_268 = vector.shape_cast %get3A_267 : vector<16xf32> to vector<16xf32>
      %add3A_269 = arith.addf %scan3A_152#6, %get3A_268 : vector<16xf32>
      %max3A_270 = arith.constant 0.000000e+00 : f32
      %max3A_271 = vector.broadcast %max3A_270 : f32 to vector<16xf32>
      %max3A_272 = arith.maximumf %add3A_269, %max3A_271 : vector<16xf32>
      %mul3A_273 = arith.constant 2 : i32
      %mul3A_274 = arith.muli %mul3A_34, %mul3A_273 : i32
      %add3A_275 = arith.constant 0 : i32
      %add3A_276 = arith.addi %mul3A_274, %add3A_275 : i32
      %mul3A_277 = arith.constant 128 : i32
      %mul3A_278 = arith.muli %add3A_276, %mul3A_277 : i32
      %add3A_279 = arith.constant 96 : i32
      %add3A_280 = arith.addi %mul3A_278, %add3A_279 : i32
      %swap3A_281 = arith.index_cast %add3A_280 : i32 to index
      %swap3A_282 = tpu.vector_load %arg11[%swap3A_281] {strides = array<i32>} : memref<40960xf32, #tpu.memory_space<vmem>>, vector<16xf32>,
      %swap3A_283 = vector.shape_cast %swap3A_282 : vector<16xf32> to vector<16xf32>
      %swap3A_284 = vector.shape_cast %max3A_272 : vector<16xf32> to vector<16xf32>
      tpu.vector_store %arg11[%swap3A_281], %swap3A_284 {strides = array<i32>} : memref<40960xf32, #tpu.memory_space<vmem>>, vector<16xf32>,
      %get3A_285 = arith.constant 112 : index
      %get3A_286 = tpu.vector_load %arg10[%get3A_285] {strides = array<i32>} : memref<128xf32, #tpu.memory_space<vmem>>, vector<16xf32>,
      %get3A_287 = vector.shape_cast %get3A_286 : vector<16xf32> to vector<16xf32>
      %add3A_288 = arith.addf %scan3A_152#7, %get3A_287 : vector<16xf32>
      %max3A_289 = arith.constant 0.000000e+00 : f32
      %max3A_290 = vector.broadcast %max3A_289 : f32 to vector<16xf32>
      %max3A_291 = arith.maximumf %add3A_288, %max3A_290 : vector<16xf32>
      %mul3A_292 = arith.constant 2 : i32
      %mul3A_293 = arith.muli %mul3A_34, %mul3A_292 : i32
      %add3A_294 = arith.constant 0 : i32
      %add3A_295 = arith.addi %mul3A_293, %add3A_294 : i32
      %mul3A_296 = arith.constant 128 : i32
      %mul3A_297 = arith.muli %add3A_295, %mul3A_296 : i32
      %add3A_298 = arith.constant 112 : i32
      %add3A_299 = arith.addi %mul3A_297, %add3A_298 : i32
      %swap3A_300 = arith.index_cast %add3A_299 : i32 to index
      %swap3A_301 = tpu.vector_load %arg11[%swap3A_300] {strides = array<i32>} : memref<40960xf32, #tpu.memory_space<vmem>>, vector<16xf32>,
      %swap3A_302 = vector.shape_cast %swap3A_301 : vector<16xf32> to vector<16xf32>
      %swap3A_303 = vector.shape_cast %max3A_291 : vector<16xf32> to vector<16xf32>
      tpu.vector_store %arg11[%swap3A_300], %swap3A_303 {strides = array<i32>} : memref<40960xf32, #tpu.memory_space<vmem>>, vector<16xf32>,
      %get3A_304 = arith.constant 32 : i32
      %get3A_305 = arith.index_cast %get3A_304 : i32 to index
      %get3A_306 = arith.constant 0 : index
      %get3A_307 = tpu.vector_load %arg12[%get3A_305, %get3A_306] {strides = array<i32>} : memref<64x128xf32, #tpu.memory_space<vmem>>, vector<1x16xf32>,
      %get3A_308 = vector.shape_cast %get3A_307 : vector<1x16xf32> to vector<16xf32>
      %get3A_309 = arith.constant 32 : i32
      %get3A_310 = arith.index_cast %get3A_309 : i32 to index
      %get3A_311 = arith.constant 0 : index
      %get3A_312 = tpu.vector_load %arg13[%get3A_310, %get3A_311] {strides = array<i32>} : memref<64x128xf32, #tpu.memory_space<vmem>>, vector<1x16xf32>,
      %get3A_313 = vector.shape_cast %get3A_312 : vector<1x16xf32> to vector<16xf32>
      %add3A_314 = arith.addf %get3A_308, %get3A_313 : vector<16xf32>
      %get3A_315 = arith.constant 32 : i32
      %get3A_316 = arith.index_cast %get3A_315 : i32 to index
      %get3A_317 = arith.constant 16 : index
      %get3A_318 = tpu.vector_load %arg12[%get3A_316, %get3A_317] {strides = array<i32>} : memref<64x128xf32, #tpu.memory_space<vmem>>, vector<1x16xf32>,
      %get3A_319 = vector.shape_cast %get3A_318 : vector<1x16xf32> to vector<16xf32>
      %get3A_320 = arith.constant 32 : i32
      %get3A_321 = arith.index_cast %get3A_320 : i32 to index
      %get3A_322 = arith.constant 16 : index
      %get3A_323 = tpu.vector_load %arg13[%get3A_321, %get3A_322] {strides = array<i32>} : memref<64x128xf32, #tpu.memory_space<vmem>>, vector<1x16xf32>,
      %get3A_324 = vector.shape_cast %get3A_323 : vector<1x16xf32> to vector<16xf32>
      %add3A_325 = arith.addf %get3A_319, %get3A_324 : vector<16xf32>
      %get3A_326 = arith.constant 32 : i32
      %get3A_327 = arith.index_cast %get3A_326 : i32 to index
      %get3A_328 = arith.constant 32 : index
      %get3A_329 = tpu.vector_load %arg12[%get3A_327, %get3A_328] {strides = array<i32>} : memref<64x128xf32, #tpu.memory_space<vmem>>, vector<1x16xf32>,
      %get3A_330 = vector.shape_cast %get3A_329 : vector<1x16xf32> to vector<16xf32>
      %get3A_331 = arith.constant 32 : i32
      %get3A_332 = arith.index_cast %get3A_331 : i32 to index
      %get3A_333 = arith.constant 32 : index
      %get3A_334 = tpu.vector_load %arg13[%get3A_332, %get3A_333] {strides = array<i32>} : memref<64x128xf32, #tpu.memory_space<vmem>>, vector<1x16xf32>,
      %get3A_335 = vector.shape_cast %get3A_334 : vector<1x16xf32> to vector<16xf32>
      %add3A_336 = arith.addf %get3A_330, %get3A_335 : vector<16xf32>
      %get3A_337 = arith.constant 32 : i32
      %get3A_338 = arith.index_cast %get3A_337 : i32 to index
      %get3A_339 = arith.constant 48 : index
      %get3A_340 = tpu.vector_load %arg12[%get3A_338, %get3A_339] {strides = array<i32>} : memref<64x128xf32, #tpu.memory_space<vmem>>, vector<1x16xf32>,
      %get3A_341 = vector.shape_cast %get3A_340 : vector<1x16xf32> to vector<16xf32>
      %get3A_342 = arith.constant 32 : i32
      %get3A_343 = arith.index_cast %get3A_342 : i32 to index
      %get3A_344 = arith.constant 48 : index
      %get3A_345 = tpu.vector_load %arg13[%get3A_343, %get3A_344] {strides = array<i32>} : memref<64x128xf32, #tpu.memory_space<vmem>>, vector<1x16xf32>,
      %get3A_346 = vector.shape_cast %get3A_345 : vector<1x16xf32> to vector<16xf32>
      %add3A_347 = arith.addf %get3A_341, %get3A_346 : vector<16xf32>
      %get3A_348 = arith.constant 32 : i32
      %get3A_349 = arith.index_cast %get3A_348 : i32 to index
      %get3A_350 = arith.constant 64 : index
      %get3A_351 = tpu.vector_load %arg12[%get3A_349, %get3A_350] {strides = array<i32>} : memref<64x128xf32, #tpu.memory_space<vmem>>, vector<1x16xf32>,
      %get3A_352 = vector.shape_cast %get3A_351 : vector<1x16xf32> to vector<16xf32>
      %get3A_353 = arith.constant 32 : i32
      %get3A_354 = arith.index_cast %get3A_353 : i32 to index
      %get3A_355 = arith.constant 64 : index
      %get3A_356 = tpu.vector_load %arg13[%get3A_354, %get3A_355] {strides = array<i32>} : memref<64x128xf32, #tpu.memory_space<vmem>>, vector<1x16xf32>,
      %get3A_357 = vector.shape_cast %get3A_356 : vector<1x16xf32> to vector<16xf32>
      %add3A_358 = arith.addf %get3A_352, %get3A_357 : vector<16xf32>
      %get3A_359 = arith.constant 32 : i32
      %get3A_360 = arith.index_cast %get3A_359 : i32 to index
      %get3A_361 = arith.constant 80 : index
      %get3A_362 = tpu.vector_load %arg12[%get3A_360, %get3A_361] {strides = array<i32>} : memref<64x128xf32, #tpu.memory_space<vmem>>, vector<1x16xf32>,
      %get3A_363 = vector.shape_cast %get3A_362 : vector<1x16xf32> to vector<16xf32>
      %get3A_364 = arith.constant 32 : i32
      %get3A_365 = arith.index_cast %get3A_364 : i32 to index
      %get3A_366 = arith.constant 80 : index
      %get3A_367 = tpu.vector_load %arg13[%get3A_365, %get3A_366] {strides = array<i32>} : memref<64x128xf32, #tpu.memory_space<vmem>>, vector<1x16xf32>,
      %get3A_368 = vector.shape_cast %get3A_367 : vector<1x16xf32> to vector<16xf32>
      %add3A_369 = arith.addf %get3A_363, %get3A_368 : vector<16xf32>
      %get3A_370 = arith.constant 32 : i32
      %get3A_371 = arith.index_cast %get3A_370 : i32 to index
      %get3A_372 = arith.constant 96 : index
      %get3A_373 = tpu.vector_load %arg12[%get3A_371, %get3A_372] {strides = array<i32>} : memref<64x128xf32, #tpu.memory_space<vmem>>, vector<1x16xf32>,
      %get3A_374 = vector.shape_cast %get3A_373 : vector<1x16xf32> to vector<16xf32>
      %get3A_375 = arith.constant 32 : i32
      %get3A_376 = arith.index_cast %get3A_375 : i32 to index
      %get3A_377 = arith.constant 96 : index
      %get3A_378 = tpu.vector_load %arg13[%get3A_376, %get3A_377] {strides = array<i32>} : memref<64x128xf32, #tpu.memory_space<vmem>>, vector<1x16xf32>,
      %get3A_379 = vector.shape_cast %get3A_378 : vector<1x16xf32> to vector<16xf32>
      %add3A_380 = arith.addf %get3A_374, %get3A_379 : vector<16xf32>
      %get3A_381 = arith.constant 32 : i32
      %get3A_382 = arith.index_cast %get3A_381 : i32 to index
      %get3A_383 = arith.constant 112 : index
      %get3A_384 = tpu.vector_load %arg12[%get3A_382, %get3A_383] {strides = array<i32>} : memref<64x128xf32, #tpu.memory_space<vmem>>, vector<1x16xf32>,
      %get3A_385 = vector.shape_cast %get3A_384 : vector<1x16xf32> to vector<16xf32>
      %get3A_386 = arith.constant 32 : i32
      %get3A_387 = arith.index_cast %get3A_386 : i32 to index
      %get3A_388 = arith.constant 112 : index
      %get3A_389 = tpu.vector_load %arg13[%get3A_387, %get3A_388] {strides = array<i32>} : memref<64x128xf32, #tpu.memory_space<vmem>>, vector<1x16xf32>,
      %get3A_390 = vector.shape_cast %get3A_389 : vector<1x16xf32> to vector<16xf32>
      %add3A_391 = arith.addf %get3A_385, %get3A_390 : vector<16xf32>
      %scan3A_392 = arith.constant 1 : i32
      %scan3A_393 = arith.constant 31 : i32
      %scan3A_394 = arith.addi %scan3A_392, %scan3A_393 : i32
      %scan3A_395 = arith.constant 1 : i32
      %scan3A_396:8 = scf.for %scan3A_1070 = %scan3A_392 to %scan3A_394 step %scan3A_395 iter_args(%scan3A_1071 = %add3A_314, %scan3A_1072 = %add3A_325, %scan3A_1073 = %add3A_336, %scan3A_1074 = %add3A_347, %scan3A_1075 = %add3A_358, %scan3A_1076 = %add3A_369, %scan3A_1077 = %add3A_380, %scan3A_1078 = %add3A_391) -> (vector<16xf32>, vector<16xf32>, vector<16xf32>, vector<16xf32>, vector<16xf32>, vector<16xf32>, vector<16xf32>, vector<16xf32>)  : i32 {
        %add3A_1079 = arith.constant 32 : i32
        %add3A_1080 = arith.addi %add3A_1079, %scan3A_1070 : i32
        %get3A_1081 = arith.index_cast %add3A_1080 : i32 to index
        %get3A_1082 = arith.constant 0 : index
        %get3A_1083 = tpu.vector_load %arg12[%get3A_1081, %get3A_1082] {strides = array<i32>} : memref<64x128xf32, #tpu.memory_space<vmem>>, vector<1x16xf32>,
        %get3A_1084 = vector.shape_cast %get3A_1083 : vector<1x16xf32> to vector<16xf32>
        %add3A_1085 = arith.constant 32 : i32
        %add3A_1086 = arith.addi %add3A_1085, %scan3A_1070 : i32
        %get3A_1087 = arith.index_cast %add3A_1086 : i32 to index
        %get3A_1088 = arith.constant 0 : index
        %get3A_1089 = tpu.vector_load %arg13[%get3A_1087, %get3A_1088] {strides = array<i32>} : memref<64x128xf32, #tpu.memory_space<vmem>>, vector<1x16xf32>,
        %get3A_1090 = vector.shape_cast %get3A_1089 : vector<1x16xf32> to vector<16xf32>
        %add3A_1091 = arith.addf %get3A_1084, %get3A_1090 : vector<16xf32>
        %max3A_1092 = arith.maximumf %scan3A_1071, %add3A_1091 : vector<16xf32>
        %add3A_1093 = arith.constant 32 : i32
        %add3A_1094 = arith.addi %add3A_1093, %scan3A_1070 : i32
        %get3A_1095 = arith.index_cast %add3A_1094 : i32 to index
        %get3A_1096 = arith.constant 16 : index
        %get3A_1097 = tpu.vector_load %arg12[%get3A_1095, %get3A_1096] {strides = array<i32>} : memref<64x128xf32, #tpu.memory_space<vmem>>, vector<1x16xf32>,
        %get3A_1098 = vector.shape_cast %get3A_1097 : vector<1x16xf32> to vector<16xf32>
        %add3A_1099 = arith.constant 32 : i32
        %add3A_1100 = arith.addi %add3A_1099, %scan3A_1070 : i32
        %get3A_1101 = arith.index_cast %add3A_1100 : i32 to index
        %get3A_1102 = arith.constant 16 : index
        %get3A_1103 = tpu.vector_load %arg13[%get3A_1101, %get3A_1102] {strides = array<i32>} : memref<64x128xf32, #tpu.memory_space<vmem>>, vector<1x16xf32>,
        %get3A_1104 = vector.shape_cast %get3A_1103 : vector<1x16xf32> to vector<16xf32>
        %add3A_1105 = arith.addf %get3A_1098, %get3A_1104 : vector<16xf32>
        %max3A_1106 = arith.maximumf %scan3A_1072, %add3A_1105 : vector<16xf32>
        %add3A_1107 = arith.constant 32 : i32
        %add3A_1108 = arith.addi %add3A_1107, %scan3A_1070 : i32
        %get3A_1109 = arith.index_cast %add3A_1108 : i32 to index
        %get3A_1110 = arith.constant 32 : index
        %get3A_1111 = tpu.vector_load %arg12[%get3A_1109, %get3A_1110] {strides = array<i32>} : memref<64x128xf32, #tpu.memory_space<vmem>>, vector<1x16xf32>,
        %get3A_1112 = vector.shape_cast %get3A_1111 : vector<1x16xf32> to vector<16xf32>
        %add3A_1113 = arith.constant 32 : i32
        %add3A_1114 = arith.addi %add3A_1113, %scan3A_1070 : i32
        %get3A_1115 = arith.index_cast %add3A_1114 : i32 to index
        %get3A_1116 = arith.constant 32 : index
        %get3A_1117 = tpu.vector_load %arg13[%get3A_1115, %get3A_1116] {strides = array<i32>} : memref<64x128xf32, #tpu.memory_space<vmem>>, vector<1x16xf32>,
        %get3A_1118 = vector.shape_cast %get3A_1117 : vector<1x16xf32> to vector<16xf32>
        %add3A_1119 = arith.addf %get3A_1112, %get3A_1118 : vector<16xf32>
        %max3A_1120 = arith.maximumf %scan3A_1073, %add3A_1119 : vector<16xf32>
        %add3A_1121 = arith.constant 32 : i32
        %add3A_1122 = arith.addi %add3A_1121, %scan3A_1070 : i32
        %get3A_1123 = arith.index_cast %add3A_1122 : i32 to index
        %get3A_1124 = arith.constant 48 : index
        %get3A_1125 = tpu.vector_load %arg12[%get3A_1123, %get3A_1124] {strides = array<i32>} : memref<64x128xf32, #tpu.memory_space<vmem>>, vector<1x16xf32>,
        %get3A_1126 = vector.shape_cast %get3A_1125 : vector<1x16xf32> to vector<16xf32>
        %add3A_1127 = arith.constant 32 : i32
        %add3A_1128 = arith.addi %add3A_1127, %scan3A_1070 : i32
        %get3A_1129 = arith.index_cast %add3A_1128 : i32 to index
        %get3A_1130 = arith.constant 48 : index
        %get3A_1131 = tpu.vector_load %arg13[%get3A_1129, %get3A_1130] {strides = array<i32>} : memref<64x128xf32, #tpu.memory_space<vmem>>, vector<1x16xf32>,
        %get3A_1132 = vector.shape_cast %get3A_1131 : vector<1x16xf32> to vector<16xf32>
        %add3A_1133 = arith.addf %get3A_1126, %get3A_1132 : vector<16xf32>
        %max3A_1134 = arith.maximumf %scan3A_1074, %add3A_1133 : vector<16xf32>
        %add3A_1135 = arith.constant 32 : i32
        %add3A_1136 = arith.addi %add3A_1135, %scan3A_1070 : i32
        %get3A_1137 = arith.index_cast %add3A_1136 : i32 to index
        %get3A_1138 = arith.constant 64 : index
        %get3A_1139 = tpu.vector_load %arg12[%get3A_1137, %get3A_1138] {strides = array<i32>} : memref<64x128xf32, #tpu.memory_space<vmem>>, vector<1x16xf32>,
        %get3A_1140 = vector.shape_cast %get3A_1139 : vector<1x16xf32> to vector<16xf32>
        %add3A_1141 = arith.constant 32 : i32
        %add3A_1142 = arith.addi %add3A_1141, %scan3A_1070 : i32
        %get3A_1143 = arith.index_cast %add3A_1142 : i32 to index
        %get3A_1144 = arith.constant 64 : index
        %get3A_1145 = tpu.vector_load %arg13[%get3A_1143, %get3A_1144] {strides = array<i32>} : memref<64x128xf32, #tpu.memory_space<vmem>>, vector<1x16xf32>,
        %get3A_1146 = vector.shape_cast %get3A_1145 : vector<1x16xf32> to vector<16xf32>
        %add3A_1147 = arith.addf %get3A_1140, %get3A_1146 : vector<16xf32>
        %max3A_1148 = arith.maximumf %scan3A_1075, %add3A_1147 : vector<16xf32>
        %add3A_1149 = arith.constant 32 : i32
        %add3A_1150 = arith.addi %add3A_1149, %scan3A_1070 : i32
        %get3A_1151 = arith.index_cast %add3A_1150 : i32 to index
        %get3A_1152 = arith.constant 80 : index
        %get3A_1153 = tpu.vector_load %arg12[%get3A_1151, %get3A_1152] {strides = array<i32>} : memref<64x128xf32, #tpu.memory_space<vmem>>, vector<1x16xf32>,
        %get3A_1154 = vector.shape_cast %get3A_1153 : vector<1x16xf32> to vector<16xf32>
        %add3A_1155 = arith.constant 32 : i32
        %add3A_1156 = arith.addi %add3A_1155, %scan3A_1070 : i32
        %get3A_1157 = arith.index_cast %add3A_1156 : i32 to index
        %get3A_1158 = arith.constant 80 : index
        %get3A_1159 = tpu.vector_load %arg13[%get3A_1157, %get3A_1158] {strides = array<i32>} : memref<64x128xf32, #tpu.memory_space<vmem>>, vector<1x16xf32>,
        %get3A_1160 = vector.shape_cast %get3A_1159 : vector<1x16xf32> to vector<16xf32>
        %add3A_1161 = arith.addf %get3A_1154, %get3A_1160 : vector<16xf32>
        %max3A_1162 = arith.maximumf %scan3A_1076, %add3A_1161 : vector<16xf32>
        %add3A_1163 = arith.constant 32 : i32
        %add3A_1164 = arith.addi %add3A_1163, %scan3A_1070 : i32
        %get3A_1165 = arith.index_cast %add3A_1164 : i32 to index
        %get3A_1166 = arith.constant 96 : index
        %get3A_1167 = tpu.vector_load %arg12[%get3A_1165, %get3A_1166] {strides = array<i32>} : memref<64x128xf32, #tpu.memory_space<vmem>>, vector<1x16xf32>,
        %get3A_1168 = vector.shape_cast %get3A_1167 : vector<1x16xf32> to vector<16xf32>
        %add3A_1169 = arith.constant 32 : i32
        %add3A_1170 = arith.addi %add3A_1169, %scan3A_1070 : i32
        %get3A_1171 = arith.index_cast %add3A_1170 : i32 to index
        %get3A_1172 = arith.constant 96 : index
        %get3A_1173 = tpu.vector_load %arg13[%get3A_1171, %get3A_1172] {strides = array<i32>} : memref<64x128xf32, #tpu.memory_space<vmem>>, vector<1x16xf32>,
        %get3A_1174 = vector.shape_cast %get3A_1173 : vector<1x16xf32> to vector<16xf32>
        %add3A_1175 = arith.addf %get3A_1168, %get3A_1174 : vector<16xf32>
        %max3A_1176 = arith.maximumf %scan3A_1077, %add3A_1175 : vector<16xf32>
        %add3A_1177 = arith.constant 32 : i32
        %add3A_1178 = arith.addi %add3A_1177, %scan3A_1070 : i32
        %get3A_1179 = arith.index_cast %add3A_1178 : i32 to index
        %get3A_1180 = arith.constant 112 : index
        %get3A_1181 = tpu.vector_load %arg12[%get3A_1179, %get3A_1180] {strides = array<i32>} : memref<64x128xf32, #tpu.memory_space<vmem>>, vector<1x16xf32>,
        %get3A_1182 = vector.shape_cast %get3A_1181 : vector<1x16xf32> to vector<16xf32>
        %add3A_1183 = arith.constant 32 : i32
        %add3A_1184 = arith.addi %add3A_1183, %scan3A_1070 : i32
        %get3A_1185 = arith.index_cast %add3A_1184 : i32 to index
        %get3A_1186 = arith.constant 112 : index
        %get3A_1187 = tpu.vector_load %arg13[%get3A_1185, %get3A_1186] {strides = array<i32>} : memref<64x128xf32, #tpu.memory_space<vmem>>, vector<1x16xf32>,
        %get3A_1188 = vector.shape_cast %get3A_1187 : vector<1x16xf32> to vector<16xf32>
        %add3A_1189 = arith.addf %get3A_1182, %get3A_1188 : vector<16xf32>
        %max3A_1190 = arith.maximumf %scan3A_1078, %add3A_1189 : vector<16xf32>
        scf.yield %max3A_1092, %max3A_1106, %max3A_1120, %max3A_1134, %max3A_1148, %max3A_1162, %max3A_1176, %max3A_1190 : vector<16xf32>, vector<16xf32>, vector<16xf32>, vector<16xf32>, vector<16xf32>, vector<16xf32>, vector<16xf32>, vector<16xf32>
      }
      %scan3A_397 = arith.constant 31 : i32
      %get3A_398 = arith.constant 0 : index
      %get3A_399 = tpu.vector_load %arg10[%get3A_398] {strides = array<i32>} : memref<128xf32, #tpu.memory_space<vmem>>, vector<16xf32>,
      %get3A_400 = vector.shape_cast %get3A_399 : vector<16xf32> to vector<16xf32>
      %add3A_401 = arith.addf %scan3A_396#0, %get3A_400 : vector<16xf32>
      %max3A_402 = arith.constant 0.000000e+00 : f32
      %max3A_403 = vector.broadcast %max3A_402 : f32 to vector<16xf32>
      %max3A_404 = arith.maximumf %add3A_401, %max3A_403 : vector<16xf32>
      %mul3A_405 = arith.constant 2 : i32
      %mul3A_406 = arith.muli %mul3A_34, %mul3A_405 : i32
      %add3A_407 = arith.constant 1 : i32
      %add3A_408 = arith.addi %mul3A_406, %add3A_407 : i32
      %mul3A_409 = arith.constant 128 : i32
      %mul3A_410 = arith.muli %add3A_408, %mul3A_409 : i32
      %add3A_411 = arith.constant 0 : i32
      %add3A_412 = arith.addi %mul3A_410, %add3A_411 : i32
      %swap3A_413 = arith.index_cast %add3A_412 : i32 to index
      %swap3A_414 = tpu.vector_load %arg11[%swap3A_413] {strides = array<i32>} : memref<40960xf32, #tpu.memory_space<vmem>>, vector<16xf32>,
      %swap3A_415 = vector.shape_cast %swap3A_414 : vector<16xf32> to vector<16xf32>
      %swap3A_416 = vector.shape_cast %max3A_404 : vector<16xf32> to vector<16xf32>
      tpu.vector_store %arg11[%swap3A_413], %swap3A_416 {strides = array<i32>} : memref<40960xf32, #tpu.memory_space<vmem>>, vector<16xf32>,
      %get3A_417 = arith.constant 16 : index
      %get3A_418 = tpu.vector_load %arg10[%get3A_417] {strides = array<i32>} : memref<128xf32, #tpu.memory_space<vmem>>, vector<16xf32>,
      %get3A_419 = vector.shape_cast %get3A_418 : vector<16xf32> to vector<16xf32>
      %add3A_420 = arith.addf %scan3A_396#1, %get3A_419 : vector<16xf32>
      %max3A_421 = arith.constant 0.000000e+00 : f32
      %max3A_422 = vector.broadcast %max3A_421 : f32 to vector<16xf32>
      %max3A_423 = arith.maximumf %add3A_420, %max3A_422 : vector<16xf32>
      %mul3A_424 = arith.constant 2 : i32
      %mul3A_425 = arith.muli %mul3A_34, %mul3A_424 : i32
      %add3A_426 = arith.constant 1 : i32
      %add3A_427 = arith.addi %mul3A_425, %add3A_426 : i32
      %mul3A_428 = arith.constant 128 : i32
      %mul3A_429 = arith.muli %add3A_427, %mul3A_428 : i32
      %add3A_430 = arith.constant 16 : i32
      %add3A_431 = arith.addi %mul3A_429, %add3A_430 : i32
      %swap3A_432 = arith.index_cast %add3A_431 : i32 to index
      %swap3A_433 = tpu.vector_load %arg11[%swap3A_432] {strides = array<i32>} : memref<40960xf32, #tpu.memory_space<vmem>>, vector<16xf32>,
      %swap3A_434 = vector.shape_cast %swap3A_433 : vector<16xf32> to vector<16xf32>
      %swap3A_435 = vector.shape_cast %max3A_423 : vector<16xf32> to vector<16xf32>
      tpu.vector_store %arg11[%swap3A_432], %swap3A_435 {strides = array<i32>} : memref<40960xf32, #tpu.memory_space<vmem>>, vector<16xf32>,
      %get3A_436 = arith.constant 32 : index
      %get3A_437 = tpu.vector_load %arg10[%get3A_436] {strides = array<i32>} : memref<128xf32, #tpu.memory_space<vmem>>, vector<16xf32>,
      %get3A_438 = vector.shape_cast %get3A_437 : vector<16xf32> to vector<16xf32>
      %add3A_439 = arith.addf %scan3A_396#2, %get3A_438 : vector<16xf32>
      %max3A_440 = arith.constant 0.000000e+00 : f32
      %max3A_441 = vector.broadcast %max3A_440 : f32 to vector<16xf32>
      %max3A_442 = arith.maximumf %add3A_439, %max3A_441 : vector<16xf32>
      %mul3A_443 = arith.constant 2 : i32
      %mul3A_444 = arith.muli %mul3A_34, %mul3A_443 : i32
      %add3A_445 = arith.constant 1 : i32
      %add3A_446 = arith.addi %mul3A_444, %add3A_445 : i32
      %mul3A_447 = arith.constant 128 : i32
      %mul3A_448 = arith.muli %add3A_446, %mul3A_447 : i32
      %add3A_449 = arith.constant 32 : i32
      %add3A_450 = arith.addi %mul3A_448, %add3A_449 : i32
      %swap3A_451 = arith.index_cast %add3A_450 : i32 to index
      %swap3A_452 = tpu.vector_load %arg11[%swap3A_451] {strides = array<i32>} : memref<40960xf32, #tpu.memory_space<vmem>>, vector<16xf32>,
      %swap3A_453 = vector.shape_cast %swap3A_452 : vector<16xf32> to vector<16xf32>
      %swap3A_454 = vector.shape_cast %max3A_442 : vector<16xf32> to vector<16xf32>
      tpu.vector_store %arg11[%swap3A_451], %swap3A_454 {strides = array<i32>} : memref<40960xf32, #tpu.memory_space<vmem>>, vector<16xf32>,
      %get3A_455 = arith.constant 48 : index
      %get3A_456 = tpu.vector_load %arg10[%get3A_455] {strides = array<i32>} : memref<128xf32, #tpu.memory_space<vmem>>, vector<16xf32>,
      %get3A_457 = vector.shape_cast %get3A_456 : vector<16xf32> to vector<16xf32>
      %add3A_458 = arith.addf %scan3A_396#3, %get3A_457 : vector<16xf32>
      %max3A_459 = arith.constant 0.000000e+00 : f32
      %max3A_460 = vector.broadcast %max3A_459 : f32 to vector<16xf32>
      %max3A_461 = arith.maximumf %add3A_458, %max3A_460 : vector<16xf32>
      %mul3A_462 = arith.constant 2 : i32
      %mul3A_463 = arith.muli %mul3A_34, %mul3A_462 : i32
      %add3A_464 = arith.constant 1 : i32
      %add3A_465 = arith.addi %mul3A_463, %add3A_464 : i32
      %mul3A_466 = arith.constant 128 : i32
      %mul3A_467 = arith.muli %add3A_465, %mul3A_466 : i32
      %add3A_468 = arith.constant 48 : i32
      %add3A_469 = arith.addi %mul3A_467, %add3A_468 : i32
      %swap3A_470 = arith.index_cast %add3A_469 : i32 to index
      %swap3A_471 = tpu.vector_load %arg11[%swap3A_470] {strides = array<i32>} : memref<40960xf32, #tpu.memory_space<vmem>>, vector<16xf32>,
      %swap3A_472 = vector.shape_cast %swap3A_471 : vector<16xf32> to vector<16xf32>
      %swap3A_473 = vector.shape_cast %max3A_461 : vector<16xf32> to vector<16xf32>
      tpu.vector_store %arg11[%swap3A_470], %swap3A_473 {strides = array<i32>} : memref<40960xf32, #tpu.memory_space<vmem>>, vector<16xf32>,
      %get3A_474 = arith.constant 64 : index
      %get3A_475 = tpu.vector_load %arg10[%get3A_474] {strides = array<i32>} : memref<128xf32, #tpu.memory_space<vmem>>, vector<16xf32>,
      %get3A_476 = vector.shape_cast %get3A_475 : vector<16xf32> to vector<16xf32>
      %add3A_477 = arith.addf %scan3A_396#4, %get3A_476 : vector<16xf32>
      %max3A_478 = arith.constant 0.000000e+00 : f32
      %max3A_479 = vector.broadcast %max3A_478 : f32 to vector<16xf32>
      %max3A_480 = arith.maximumf %add3A_477, %max3A_479 : vector<16xf32>
      %mul3A_481 = arith.constant 2 : i32
      %mul3A_482 = arith.muli %mul3A_34, %mul3A_481 : i32
      %add3A_483 = arith.constant 1 : i32
      %add3A_484 = arith.addi %mul3A_482, %add3A_483 : i32
      %mul3A_485 = arith.constant 128 : i32
      %mul3A_486 = arith.muli %add3A_484, %mul3A_485 : i32
      %add3A_487 = arith.constant 64 : i32
      %add3A_488 = arith.addi %mul3A_486, %add3A_487 : i32
      %swap3A_489 = arith.index_cast %add3A_488 : i32 to index
      %swap3A_490 = tpu.vector_load %arg11[%swap3A_489] {strides = array<i32>} : memref<40960xf32, #tpu.memory_space<vmem>>, vector<16xf32>,
      %swap3A_491 = vector.shape_cast %swap3A_490 : vector<16xf32> to vector<16xf32>
      %swap3A_492 = vector.shape_cast %max3A_480 : vector<16xf32> to vector<16xf32>
      tpu.vector_store %arg11[%swap3A_489], %swap3A_492 {strides = array<i32>} : memref<40960xf32, #tpu.memory_space<vmem>>, vector<16xf32>,
      %get3A_493 = arith.constant 80 : index
      %get3A_494 = tpu.vector_load %arg10[%get3A_493] {strides = array<i32>} : memref<128xf32, #tpu.memory_space<vmem>>, vector<16xf32>,
      %get3A_495 = vector.shape_cast %get3A_494 : vector<16xf32> to vector<16xf32>
      %add3A_496 = arith.addf %scan3A_396#5, %get3A_495 : vector<16xf32>
      %max3A_497 = arith.constant 0.000000e+00 : f32
      %max3A_498 = vector.broadcast %max3A_497 : f32 to vector<16xf32>
      %max3A_499 = arith.maximumf %add3A_496, %max3A_498 : vector<16xf32>
      %mul3A_500 = arith.constant 2 : i32
      %mul3A_501 = arith.muli %mul3A_34, %mul3A_500 : i32
      %add3A_502 = arith.constant 1 : i32
      %add3A_503 = arith.addi %mul3A_501, %add3A_502 : i32
      %mul3A_504 = arith.constant 128 : i32
      %mul3A_505 = arith.muli %add3A_503, %mul3A_504 : i32
      %add3A_506 = arith.constant 80 : i32
      %add3A_507 = arith.addi %mul3A_505, %add3A_506 : i32
      %swap3A_508 = arith.index_cast %add3A_507 : i32 to index
      %swap3A_509 = tpu.vector_load %arg11[%swap3A_508] {strides = array<i32>} : memref<40960xf32, #tpu.memory_space<vmem>>, vector<16xf32>,
      %swap3A_510 = vector.shape_cast %swap3A_509 : vector<16xf32> to vector<16xf32>
      %swap3A_511 = vector.shape_cast %max3A_499 : vector<16xf32> to vector<16xf32>
      tpu.vector_store %arg11[%swap3A_508], %swap3A_511 {strides = array<i32>} : memref<40960xf32, #tpu.memory_space<vmem>>, vector<16xf32>,
      %get3A_512 = arith.constant 96 : index
      %get3A_513 = tpu.vector_load %arg10[%get3A_512] {strides = array<i32>} : memref<128xf32, #tpu.memory_space<vmem>>, vector<16xf32>,
      %get3A_514 = vector.shape_cast %get3A_513 : vector<16xf32> to vector<16xf32>
      %add3A_515 = arith.addf %scan3A_396#6, %get3A_514 : vector<16xf32>
      %max3A_516 = arith.constant 0.000000e+00 : f32
      %max3A_517 = vector.broadcast %max3A_516 : f32 to vector<16xf32>
      %max3A_518 = arith.maximumf %add3A_515, %max3A_517 : vector<16xf32>
      %mul3A_519 = arith.constant 2 : i32
      %mul3A_520 = arith.muli %mul3A_34, %mul3A_519 : i32
      %add3A_521 = arith.constant 1 : i32
      %add3A_522 = arith.addi %mul3A_520, %add3A_521 : i32
      %mul3A_523 = arith.constant 128 : i32
      %mul3A_524 = arith.muli %add3A_522, %mul3A_523 : i32
      %add3A_525 = arith.constant 96 : i32
      %add3A_526 = arith.addi %mul3A_524, %add3A_525 : i32
      %swap3A_527 = arith.index_cast %add3A_526 : i32 to index
      %swap3A_528 = tpu.vector_load %arg11[%swap3A_527] {strides = array<i32>} : memref<40960xf32, #tpu.memory_space<vmem>>, vector<16xf32>,
      %swap3A_529 = vector.shape_cast %swap3A_528 : vector<16xf32> to vector<16xf32>
      %swap3A_530 = vector.shape_cast %max3A_518 : vector<16xf32> to vector<16xf32>
      tpu.vector_store %arg11[%swap3A_527], %swap3A_530 {strides = array<i32>} : memref<40960xf32, #tpu.memory_space<vmem>>, vector<16xf32>,
      %get3A_531 = arith.constant 112 : index
      %get3A_532 = tpu.vector_load %arg10[%get3A_531] {strides = array<i32>} : memref<128xf32, #tpu.memory_space<vmem>>, vector<16xf32>,
      %get3A_533 = vector.shape_cast %get3A_532 : vector<16xf32> to vector<16xf32>
      %add3A_534 = arith.addf %scan3A_396#7, %get3A_533 : vector<16xf32>
      %max3A_535 = arith.constant 0.000000e+00 : f32
      %max3A_536 = vector.broadcast %max3A_535 : f32 to vector<16xf32>
      %max3A_537 = arith.maximumf %add3A_534, %max3A_536 : vector<16xf32>
      %mul3A_538 = arith.constant 2 : i32
      %mul3A_539 = arith.muli %mul3A_34, %mul3A_538 : i32
      %add3A_540 = arith.constant 1 : i32
      %add3A_541 = arith.addi %mul3A_539, %add3A_540 : i32
      %mul3A_542 = arith.constant 128 : i32
      %mul3A_543 = arith.muli %add3A_541, %mul3A_542 : i32
      %add3A_544 = arith.constant 112 : i32
      %add3A_545 = arith.addi %mul3A_543, %add3A_544 : i32
      %swap3A_546 = arith.index_cast %add3A_545 : i32 to index
      %swap3A_547 = tpu.vector_load %arg11[%swap3A_546] {strides = array<i32>} : memref<40960xf32, #tpu.memory_space<vmem>>, vector<16xf32>,
      %swap3A_548 = vector.shape_cast %swap3A_547 : vector<16xf32> to vector<16xf32>
      %swap3A_549 = vector.shape_cast %max3A_537 : vector<16xf32> to vector<16xf32>
      tpu.vector_store %arg11[%swap3A_546], %swap3A_549 {strides = array<i32>} : memref<40960xf32, #tpu.memory_space<vmem>>, vector<16xf32>,
      %add3A_550 = arith.constant 2 : i32
      %add3A_551 = arith.addi %mul3A_34, %add3A_550 : i32
      %dma_start3A_552 = arith.constant 0 : i32
      %dma_start3A_553 = tpu.memref_slice %arg8[%add3A_551, %dma_start3A_552] : memref<161x64xi32, #tpu.memory_space<vmem>> -> memref<1x64xi32, #tpu.memory_space<vmem>>
      %dma_start3A_554 = tpu.memref_squeeze %dma_start3A_553 : memref<1x64xi32, #tpu.memory_space<vmem>> -> memref<64xi32, #tpu.memory_space<vmem>>
      %dma_start3A_555 = arith.constant 0 : i32
      %dma_start3A_556 = arith.constant 0 : i32
      %dma_start3A_557 = tpu.memref_slice %arg2[%dma_start3A_555, %dma_start3A_556] : memref<10000x128xf32, #tpu.memory_space<hbm>> -> memref<10000x128xf32, #tpu.memory_space<hbm>>
      tpu.enqueue_indirect_dma source(%dma_start3A_557 : memref<10000x128xf32, #tpu.memory_space<hbm>>) target(%arg12 : memref<64x128xf32, #tpu.memory_space<vmem>>) offsets(%dma_start3A_554 : memref<64xi32, #tpu.memory_space<vmem>>) semaphore(%arg16 : memref<!tpu.dma_semaphore, #tpu.memory_space<semaphore_mem>>)
      %add3A_558 = arith.constant 2 : i32
      %add3A_559 = arith.addi %mul3A_34, %add3A_558 : i32
      %dma_start3A_560 = arith.constant 0 : i32
      %dma_start3A_561 = tpu.memref_slice %arg9[%add3A_559, %dma_start3A_560] : memref<161x64xi32, #tpu.memory_space<vmem>> -> memref<1x64xi32, #tpu.memory_space<vmem>>
      %dma_start3A_562 = tpu.memref_squeeze %dma_start3A_561 : memref<1x64xi32, #tpu.memory_space<vmem>> -> memref<64xi32, #tpu.memory_space<vmem>>
      %dma_start3A_563 = arith.constant 0 : i32
      %dma_start3A_564 = arith.constant 0 : i32
      %dma_start3A_565 = tpu.memref_slice %arg3[%dma_start3A_563, %dma_start3A_564] : memref<10000x128xf32, #tpu.memory_space<hbm>> -> memref<10000x128xf32, #tpu.memory_space<hbm>>
      tpu.enqueue_indirect_dma source(%dma_start3A_565 : memref<10000x128xf32, #tpu.memory_space<hbm>>) target(%arg13 : memref<64x128xf32, #tpu.memory_space<vmem>>) offsets(%dma_start3A_562 : memref<64xi32, #tpu.memory_space<vmem>>) semaphore(%arg17 : memref<!tpu.dma_semaphore, #tpu.memory_space<semaphore_mem>>)
      %dma_wait3A_566 = arith.constant 0 : i32
      %dma_wait3A_567 = tpu.memref_slice %arg8[%add3A_36, %dma_wait3A_566] : memref<161x64xi32, #tpu.memory_space<vmem>> -> memref<1x64xi32, #tpu.memory_space<vmem>>
      %dma_wait3A_568 = tpu.memref_squeeze %dma_wait3A_567 : memref<1x64xi32, #tpu.memory_space<vmem>> -> memref<64xi32, #tpu.memory_space<vmem>>
      %dma_wait3A_569 = arith.constant 0 : i32
      %dma_wait3A_570 = arith.constant 0 : i32
      %dma_wait3A_571 = tpu.memref_slice %arg2[%dma_wait3A_569, %dma_wait3A_570] : memref<10000x128xf32, #tpu.memory_space<hbm>> -> memref<10000x128xf32, #tpu.memory_space<hbm>>
      tpu.wait_indirect_dma semaphore(%arg18 : memref<!tpu.dma_semaphore, #tpu.memory_space<semaphore_mem>>) src(%dma_wait3A_571 : memref<10000x128xf32, #tpu.memory_space<hbm>>) dst(%arg14 : memref<64x128xf32, #tpu.memory_space<vmem>>)
      %dma_wait3A_572 = arith.constant 0 : i32
      %dma_wait3A_573 = tpu.memref_slice %arg9[%add3A_36, %dma_wait3A_572] : memref<161x64xi32, #tpu.memory_space<vmem>> -> memref<1x64xi32, #tpu.memory_space<vmem>>
      %dma_wait3A_574 = tpu.memref_squeeze %dma_wait3A_573 : memref<1x64xi32, #tpu.memory_space<vmem>> -> memref<64xi32, #tpu.memory_space<vmem>>
      %dma_wait3A_575 = arith.constant 0 : i32
      %dma_wait3A_576 = arith.constant 0 : i32
      %dma_wait3A_577 = tpu.memref_slice %arg3[%dma_wait3A_575, %dma_wait3A_576] : memref<10000x128xf32, #tpu.memory_space<hbm>> -> memref<10000x128xf32, #tpu.memory_space<hbm>>
      tpu.wait_indirect_dma semaphore(%arg19 : memref<!tpu.dma_semaphore, #tpu.memory_space<semaphore_mem>>) src(%dma_wait3A_577 : memref<10000x128xf32, #tpu.memory_space<hbm>>) dst(%arg15 : memref<64x128xf32, #tpu.memory_space<vmem>>)
      %get3A_578 = arith.constant 0 : i32
      %get3A_579 = arith.index_cast %get3A_578 : i32 to index
      %get3A_580 = arith.constant 0 : index
      %get3A_581 = tpu.vector_load %arg14[%get3A_579, %get3A_580] {strides = array<i32>} : memref<64x128xf32, #tpu.memory_space<vmem>>, vector<1x16xf32>,
      %get3A_582 = vector.shape_cast %get3A_581 : vector<1x16xf32> to vector<16xf32>
      %get3A_583 = arith.constant 0 : i32
      %get3A_584 = arith.index_cast %get3A_583 : i32 to index
      %get3A_585 = arith.constant 0 : index
      %get3A_586 = tpu.vector_load %arg15[%get3A_584, %get3A_585] {strides = array<i32>} : memref<64x128xf32, #tpu.memory_space<vmem>>, vector<1x16xf32>,
      %get3A_587 = vector.shape_cast %get3A_586 : vector<1x16xf32> to vector<16xf32>
      %add3A_588 = arith.addf %get3A_582, %get3A_587 : vector<16xf32>
      %get3A_589 = arith.constant 0 : i32
      %get3A_590 = arith.index_cast %get3A_589 : i32 to index
      %get3A_591 = arith.constant 16 : index
      %get3A_592 = tpu.vector_load %arg14[%get3A_590, %get3A_591] {strides = array<i32>} : memref<64x128xf32, #tpu.memory_space<vmem>>, vector<1x16xf32>,
      %get3A_593 = vector.shape_cast %get3A_592 : vector<1x16xf32> to vector<16xf32>
      %get3A_594 = arith.constant 0 : i32
      %get3A_595 = arith.index_cast %get3A_594 : i32 to index
      %get3A_596 = arith.constant 16 : index
      %get3A_597 = tpu.vector_load %arg15[%get3A_595, %get3A_596] {strides = array<i32>} : memref<64x128xf32, #tpu.memory_space<vmem>>, vector<1x16xf32>,
      %get3A_598 = vector.shape_cast %get3A_597 : vector<1x16xf32> to vector<16xf32>
      %add3A_599 = arith.addf %get3A_593, %get3A_598 : vector<16xf32>
      %get3A_600 = arith.constant 0 : i32
      %get3A_601 = arith.index_cast %get3A_600 : i32 to index
      %get3A_602 = arith.constant 32 : index
      %get3A_603 = tpu.vector_load %arg14[%get3A_601, %get3A_602] {strides = array<i32>} : memref<64x128xf32, #tpu.memory_space<vmem>>, vector<1x16xf32>,
      %get3A_604 = vector.shape_cast %get3A_603 : vector<1x16xf32> to vector<16xf32>
      %get3A_605 = arith.constant 0 : i32
      %get3A_606 = arith.index_cast %get3A_605 : i32 to index
      %get3A_607 = arith.constant 32 : index
      %get3A_608 = tpu.vector_load %arg15[%get3A_606, %get3A_607] {strides = array<i32>} : memref<64x128xf32, #tpu.memory_space<vmem>>, vector<1x16xf32>,
      %get3A_609 = vector.shape_cast %get3A_608 : vector<1x16xf32> to vector<16xf32>
      %add3A_610 = arith.addf %get3A_604, %get3A_609 : vector<16xf32>
      %get3A_611 = arith.constant 0 : i32
      %get3A_612 = arith.index_cast %get3A_611 : i32 to index
      %get3A_613 = arith.constant 48 : index
      %get3A_614 = tpu.vector_load %arg14[%get3A_612, %get3A_613] {strides = array<i32>} : memref<64x128xf32, #tpu.memory_space<vmem>>, vector<1x16xf32>,
      %get3A_615 = vector.shape_cast %get3A_614 : vector<1x16xf32> to vector<16xf32>
      %get3A_616 = arith.constant 0 : i32
      %get3A_617 = arith.index_cast %get3A_616 : i32 to index
      %get3A_618 = arith.constant 48 : index
      %get3A_619 = tpu.vector_load %arg15[%get3A_617, %get3A_618] {strides = array<i32>} : memref<64x128xf32, #tpu.memory_space<vmem>>, vector<1x16xf32>,
      %get3A_620 = vector.shape_cast %get3A_619 : vector<1x16xf32> to vector<16xf32>
      %add3A_621 = arith.addf %get3A_615, %get3A_620 : vector<16xf32>
      %get3A_622 = arith.constant 0 : i32
      %get3A_623 = arith.index_cast %get3A_622 : i32 to index
      %get3A_624 = arith.constant 64 : index
      %get3A_625 = tpu.vector_load %arg14[%get3A_623, %get3A_624] {strides = array<i32>} : memref<64x128xf32, #tpu.memory_space<vmem>>, vector<1x16xf32>,
      %get3A_626 = vector.shape_cast %get3A_625 : vector<1x16xf32> to vector<16xf32>
      %get3A_627 = arith.constant 0 : i32
      %get3A_628 = arith.index_cast %get3A_627 : i32 to index
      %get3A_629 = arith.constant 64 : index
      %get3A_630 = tpu.vector_load %arg15[%get3A_628, %get3A_629] {strides = array<i32>} : memref<64x128xf32, #tpu.memory_space<vmem>>, vector<1x16xf32>,
      %get3A_631 = vector.shape_cast %get3A_630 : vector<1x16xf32> to vector<16xf32>
      %add3A_632 = arith.addf %get3A_626, %get3A_631 : vector<16xf32>
      %get3A_633 = arith.constant 0 : i32
      %get3A_634 = arith.index_cast %get3A_633 : i32 to index
      %get3A_635 = arith.constant 80 : index
      %get3A_636 = tpu.vector_load %arg14[%get3A_634, %get3A_635] {strides = array<i32>} : memref<64x128xf32, #tpu.memory_space<vmem>>, vector<1x16xf32>,
      %get3A_637 = vector.shape_cast %get3A_636 : vector<1x16xf32> to vector<16xf32>
      %get3A_638 = arith.constant 0 : i32
      %get3A_639 = arith.index_cast %get3A_638 : i32 to index
      %get3A_640 = arith.constant 80 : index
      %get3A_641 = tpu.vector_load %arg15[%get3A_639, %get3A_640] {strides = array<i32>} : memref<64x128xf32, #tpu.memory_space<vmem>>, vector<1x16xf32>,
      %get3A_642 = vector.shape_cast %get3A_641 : vector<1x16xf32> to vector<16xf32>
      %add3A_643 = arith.addf %get3A_637, %get3A_642 : vector<16xf32>
      %get3A_644 = arith.constant 0 : i32
      %get3A_645 = arith.index_cast %get3A_644 : i32 to index
      %get3A_646 = arith.constant 96 : index
      %get3A_647 = tpu.vector_load %arg14[%get3A_645, %get3A_646] {strides = array<i32>} : memref<64x128xf32, #tpu.memory_space<vmem>>, vector<1x16xf32>,
      %get3A_648 = vector.shape_cast %get3A_647 : vector<1x16xf32> to vector<16xf32>
      %get3A_649 = arith.constant 0 : i32
      %get3A_650 = arith.index_cast %get3A_649 : i32 to index
      %get3A_651 = arith.constant 96 : index
      %get3A_652 = tpu.vector_load %arg15[%get3A_650, %get3A_651] {strides = array<i32>} : memref<64x128xf32, #tpu.memory_space<vmem>>, vector<1x16xf32>,
      %get3A_653 = vector.shape_cast %get3A_652 : vector<1x16xf32> to vector<16xf32>
      %add3A_654 = arith.addf %get3A_648, %get3A_653 : vector<16xf32>
      %get3A_655 = arith.constant 0 : i32
      %get3A_656 = arith.index_cast %get3A_655 : i32 to index
      %get3A_657 = arith.constant 112 : index
      %get3A_658 = tpu.vector_load %arg14[%get3A_656, %get3A_657] {strides = array<i32>} : memref<64x128xf32, #tpu.memory_space<vmem>>, vector<1x16xf32>,
      %get3A_659 = vector.shape_cast %get3A_658 : vector<1x16xf32> to vector<16xf32>
      %get3A_660 = arith.constant 0 : i32
      %get3A_661 = arith.index_cast %get3A_660 : i32 to index
      %get3A_662 = arith.constant 112 : index
      %get3A_663 = tpu.vector_load %arg15[%get3A_661, %get3A_662] {strides = array<i32>} : memref<64x128xf32, #tpu.memory_space<vmem>>, vector<1x16xf32>,
      %get3A_664 = vector.shape_cast %get3A_663 : vector<1x16xf32> to vector<16xf32>
      %add3A_665 = arith.addf %get3A_659, %get3A_664 : vector<16xf32>
      %scan3A_666 = arith.constant 1 : i32
      %scan3A_667 = arith.constant 31 : i32
      %scan3A_668 = arith.addi %scan3A_666, %scan3A_667 : i32
      %scan3A_669 = arith.constant 1 : i32
      %scan3A_670:8 = scf.for %scan3A_1070 = %scan3A_666 to %scan3A_668 step %scan3A_669 iter_args(%scan3A_1071 = %add3A_588, %scan3A_1072 = %add3A_599, %scan3A_1073 = %add3A_610, %scan3A_1074 = %add3A_621, %scan3A_1075 = %add3A_632, %scan3A_1076 = %add3A_643, %scan3A_1077 = %add3A_654, %scan3A_1078 = %add3A_665) -> (vector<16xf32>, vector<16xf32>, vector<16xf32>, vector<16xf32>, vector<16xf32>, vector<16xf32>, vector<16xf32>, vector<16xf32>)  : i32 {
        %add3A_1079 = arith.constant 0 : i32
        %add3A_1080 = arith.addi %add3A_1079, %scan3A_1070 : i32
        %get3A_1081 = arith.index_cast %add3A_1080 : i32 to index
        %get3A_1082 = arith.constant 0 : index
        %get3A_1083 = tpu.vector_load %arg14[%get3A_1081, %get3A_1082] {strides = array<i32>} : memref<64x128xf32, #tpu.memory_space<vmem>>, vector<1x16xf32>,
        %get3A_1084 = vector.shape_cast %get3A_1083 : vector<1x16xf32> to vector<16xf32>
        %add3A_1085 = arith.constant 0 : i32
        %add3A_1086 = arith.addi %add3A_1085, %scan3A_1070 : i32
        %get3A_1087 = arith.index_cast %add3A_1086 : i32 to index
        %get3A_1088 = arith.constant 0 : index
        %get3A_1089 = tpu.vector_load %arg15[%get3A_1087, %get3A_1088] {strides = array<i32>} : memref<64x128xf32, #tpu.memory_space<vmem>>, vector<1x16xf32>,
        %get3A_1090 = vector.shape_cast %get3A_1089 : vector<1x16xf32> to vector<16xf32>
        %add3A_1091 = arith.addf %get3A_1084, %get3A_1090 : vector<16xf32>
        %max3A_1092 = arith.maximumf %scan3A_1071, %add3A_1091 : vector<16xf32>
        %add3A_1093 = arith.constant 0 : i32
        %add3A_1094 = arith.addi %add3A_1093, %scan3A_1070 : i32
        %get3A_1095 = arith.index_cast %add3A_1094 : i32 to index
        %get3A_1096 = arith.constant 16 : index
        %get3A_1097 = tpu.vector_load %arg14[%get3A_1095, %get3A_1096] {strides = array<i32>} : memref<64x128xf32, #tpu.memory_space<vmem>>, vector<1x16xf32>,
        %get3A_1098 = vector.shape_cast %get3A_1097 : vector<1x16xf32> to vector<16xf32>
        %add3A_1099 = arith.constant 0 : i32
        %add3A_1100 = arith.addi %add3A_1099, %scan3A_1070 : i32
        %get3A_1101 = arith.index_cast %add3A_1100 : i32 to index
        %get3A_1102 = arith.constant 16 : index
        %get3A_1103 = tpu.vector_load %arg15[%get3A_1101, %get3A_1102] {strides = array<i32>} : memref<64x128xf32, #tpu.memory_space<vmem>>, vector<1x16xf32>,
        %get3A_1104 = vector.shape_cast %get3A_1103 : vector<1x16xf32> to vector<16xf32>
        %add3A_1105 = arith.addf %get3A_1098, %get3A_1104 : vector<16xf32>
        %max3A_1106 = arith.maximumf %scan3A_1072, %add3A_1105 : vector<16xf32>
        %add3A_1107 = arith.constant 0 : i32
        %add3A_1108 = arith.addi %add3A_1107, %scan3A_1070 : i32
        %get3A_1109 = arith.index_cast %add3A_1108 : i32 to index
        %get3A_1110 = arith.constant 32 : index
        %get3A_1111 = tpu.vector_load %arg14[%get3A_1109, %get3A_1110] {strides = array<i32>} : memref<64x128xf32, #tpu.memory_space<vmem>>, vector<1x16xf32>,
        %get3A_1112 = vector.shape_cast %get3A_1111 : vector<1x16xf32> to vector<16xf32>
        %add3A_1113 = arith.constant 0 : i32
        %add3A_1114 = arith.addi %add3A_1113, %scan3A_1070 : i32
        %get3A_1115 = arith.index_cast %add3A_1114 : i32 to index
        %get3A_1116 = arith.constant 32 : index
        %get3A_1117 = tpu.vector_load %arg15[%get3A_1115, %get3A_1116] {strides = array<i32>} : memref<64x128xf32, #tpu.memory_space<vmem>>, vector<1x16xf32>,
        %get3A_1118 = vector.shape_cast %get3A_1117 : vector<1x16xf32> to vector<16xf32>
        %add3A_1119 = arith.addf %get3A_1112, %get3A_1118 : vector<16xf32>
        %max3A_1120 = arith.maximumf %scan3A_1073, %add3A_1119 : vector<16xf32>
        %add3A_1121 = arith.constant 0 : i32
        %add3A_1122 = arith.addi %add3A_1121, %scan3A_1070 : i32
        %get3A_1123 = arith.index_cast %add3A_1122 : i32 to index
        %get3A_1124 = arith.constant 48 : index
        %get3A_1125 = tpu.vector_load %arg14[%get3A_1123, %get3A_1124] {strides = array<i32>} : memref<64x128xf32, #tpu.memory_space<vmem>>, vector<1x16xf32>,
        %get3A_1126 = vector.shape_cast %get3A_1125 : vector<1x16xf32> to vector<16xf32>
        %add3A_1127 = arith.constant 0 : i32
        %add3A_1128 = arith.addi %add3A_1127, %scan3A_1070 : i32
        %get3A_1129 = arith.index_cast %add3A_1128 : i32 to index
        %get3A_1130 = arith.constant 48 : index
        %get3A_1131 = tpu.vector_load %arg15[%get3A_1129, %get3A_1130] {strides = array<i32>} : memref<64x128xf32, #tpu.memory_space<vmem>>, vector<1x16xf32>,
        %get3A_1132 = vector.shape_cast %get3A_1131 : vector<1x16xf32> to vector<16xf32>
        %add3A_1133 = arith.addf %get3A_1126, %get3A_1132 : vector<16xf32>
        %max3A_1134 = arith.maximumf %scan3A_1074, %add3A_1133 : vector<16xf32>
        %add3A_1135 = arith.constant 0 : i32
        %add3A_1136 = arith.addi %add3A_1135, %scan3A_1070 : i32
        %get3A_1137 = arith.index_cast %add3A_1136 : i32 to index
        %get3A_1138 = arith.constant 64 : index
        %get3A_1139 = tpu.vector_load %arg14[%get3A_1137, %get3A_1138] {strides = array<i32>} : memref<64x128xf32, #tpu.memory_space<vmem>>, vector<1x16xf32>,
        %get3A_1140 = vector.shape_cast %get3A_1139 : vector<1x16xf32> to vector<16xf32>
        %add3A_1141 = arith.constant 0 : i32
        %add3A_1142 = arith.addi %add3A_1141, %scan3A_1070 : i32
        %get3A_1143 = arith.index_cast %add3A_1142 : i32 to index
        %get3A_1144 = arith.constant 64 : index
        %get3A_1145 = tpu.vector_load %arg15[%get3A_1143, %get3A_1144] {strides = array<i32>} : memref<64x128xf32, #tpu.memory_space<vmem>>, vector<1x16xf32>,
        %get3A_1146 = vector.shape_cast %get3A_1145 : vector<1x16xf32> to vector<16xf32>
        %add3A_1147 = arith.addf %get3A_1140, %get3A_1146 : vector<16xf32>
        %max3A_1148 = arith.maximumf %scan3A_1075, %add3A_1147 : vector<16xf32>
        %add3A_1149 = arith.constant 0 : i32
        %add3A_1150 = arith.addi %add3A_1149, %scan3A_1070 : i32
        %get3A_1151 = arith.index_cast %add3A_1150 : i32 to index
        %get3A_1152 = arith.constant 80 : index
        %get3A_1153 = tpu.vector_load %arg14[%get3A_1151, %get3A_1152] {strides = array<i32>} : memref<64x128xf32, #tpu.memory_space<vmem>>, vector<1x16xf32>,
        %get3A_1154 = vector.shape_cast %get3A_1153 : vector<1x16xf32> to vector<16xf32>
        %add3A_1155 = arith.constant 0 : i32
        %add3A_1156 = arith.addi %add3A_1155, %scan3A_1070 : i32
        %get3A_1157 = arith.index_cast %add3A_1156 : i32 to index
        %get3A_1158 = arith.constant 80 : index
        %get3A_1159 = tpu.vector_load %arg15[%get3A_1157, %get3A_1158] {strides = array<i32>} : memref<64x128xf32, #tpu.memory_space<vmem>>, vector<1x16xf32>,
        %get3A_1160 = vector.shape_cast %get3A_1159 : vector<1x16xf32> to vector<16xf32>
        %add3A_1161 = arith.addf %get3A_1154, %get3A_1160 : vector<16xf32>
        %max3A_1162 = arith.maximumf %scan3A_1076, %add3A_1161 : vector<16xf32>
        %add3A_1163 = arith.constant 0 : i32
        %add3A_1164 = arith.addi %add3A_1163, %scan3A_1070 : i32
        %get3A_1165 = arith.index_cast %add3A_1164 : i32 to index
        %get3A_1166 = arith.constant 96 : index
        %get3A_1167 = tpu.vector_load %arg14[%get3A_1165, %get3A_1166] {strides = array<i32>} : memref<64x128xf32, #tpu.memory_space<vmem>>, vector<1x16xf32>,
        %get3A_1168 = vector.shape_cast %get3A_1167 : vector<1x16xf32> to vector<16xf32>
        %add3A_1169 = arith.constant 0 : i32
        %add3A_1170 = arith.addi %add3A_1169, %scan3A_1070 : i32
        %get3A_1171 = arith.index_cast %add3A_1170 : i32 to index
        %get3A_1172 = arith.constant 96 : index
        %get3A_1173 = tpu.vector_load %arg15[%get3A_1171, %get3A_1172] {strides = array<i32>} : memref<64x128xf32, #tpu.memory_space<vmem>>, vector<1x16xf32>,
        %get3A_1174 = vector.shape_cast %get3A_1173 : vector<1x16xf32> to vector<16xf32>
        %add3A_1175 = arith.addf %get3A_1168, %get3A_1174 : vector<16xf32>
        %max3A_1176 = arith.maximumf %scan3A_1077, %add3A_1175 : vector<16xf32>
        %add3A_1177 = arith.constant 0 : i32
        %add3A_1178 = arith.addi %add3A_1177, %scan3A_1070 : i32
        %get3A_1179 = arith.index_cast %add3A_1178 : i32 to index
        %get3A_1180 = arith.constant 112 : index
        %get3A_1181 = tpu.vector_load %arg14[%get3A_1179, %get3A_1180] {strides = array<i32>} : memref<64x128xf32, #tpu.memory_space<vmem>>, vector<1x16xf32>,
        %get3A_1182 = vector.shape_cast %get3A_1181 : vector<1x16xf32> to vector<16xf32>
        %add3A_1183 = arith.constant 0 : i32
        %add3A_1184 = arith.addi %add3A_1183, %scan3A_1070 : i32
        %get3A_1185 = arith.index_cast %add3A_1184 : i32 to index
        %get3A_1186 = arith.constant 112 : index
        %get3A_1187 = tpu.vector_load %arg15[%get3A_1185, %get3A_1186] {strides = array<i32>} : memref<64x128xf32, #tpu.memory_space<vmem>>, vector<1x16xf32>,
        %get3A_1188 = vector.shape_cast %get3A_1187 : vector<1x16xf32> to vector<16xf32>
        %add3A_1189 = arith.addf %get3A_1182, %get3A_1188 : vector<16xf32>
        %max3A_1190 = arith.maximumf %scan3A_1078, %add3A_1189 : vector<16xf32>
        scf.yield %max3A_1092, %max3A_1106, %max3A_1120, %max3A_1134, %max3A_1148, %max3A_1162, %max3A_1176, %max3A_1190 : vector<16xf32>, vector<16xf32>, vector<16xf32>, vector<16xf32>, vector<16xf32>, vector<16xf32>, vector<16xf32>, vector<16xf32>
      }
      %scan3A_671 = arith.constant 31 : i32
      %get3A_672 = arith.constant 0 : index
      %get3A_673 = tpu.vector_load %arg10[%get3A_672] {strides = array<i32>} : memref<128xf32, #tpu.memory_space<vmem>>, vector<16xf32>,
      %get3A_674 = vector.shape_cast %get3A_673 : vector<16xf32> to vector<16xf32>
      %add3A_675 = arith.addf %scan3A_670#0, %get3A_674 : vector<16xf32>
      %max3A_676 = arith.constant 0.000000e+00 : f32
      %max3A_677 = vector.broadcast %max3A_676 : f32 to vector<16xf32>
      %max3A_678 = arith.maximumf %add3A_675, %max3A_677 : vector<16xf32>
      %mul3A_679 = arith.constant 2 : i32
      %mul3A_680 = arith.muli %add3A_36, %mul3A_679 : i32
      %add3A_681 = arith.constant 0 : i32
      %add3A_682 = arith.addi %mul3A_680, %add3A_681 : i32
      %mul3A_683 = arith.constant 128 : i32
      %mul3A_684 = arith.muli %add3A_682, %mul3A_683 : i32
      %add3A_685 = arith.constant 0 : i32
      %add3A_686 = arith.addi %mul3A_684, %add3A_685 : i32
      %swap3A_687 = arith.index_cast %add3A_686 : i32 to index
      %swap3A_688 = tpu.vector_load %arg11[%swap3A_687] {strides = array<i32>} : memref<40960xf32, #tpu.memory_space<vmem>>, vector<16xf32>,
      %swap3A_689 = vector.shape_cast %swap3A_688 : vector<16xf32> to vector<16xf32>
      %swap3A_690 = vector.shape_cast %max3A_678 : vector<16xf32> to vector<16xf32>
      tpu.vector_store %arg11[%swap3A_687], %swap3A_690 {strides = array<i32>} : memref<40960xf32, #tpu.memory_space<vmem>>, vector<16xf32>,
      %get3A_691 = arith.constant 16 : index
      %get3A_692 = tpu.vector_load %arg10[%get3A_691] {strides = array<i32>} : memref<128xf32, #tpu.memory_space<vmem>>, vector<16xf32>,
      %get3A_693 = vector.shape_cast %get3A_692 : vector<16xf32> to vector<16xf32>
      %add3A_694 = arith.addf %scan3A_670#1, %get3A_693 : vector<16xf32>
      %max3A_695 = arith.constant 0.000000e+00 : f32
      %max3A_696 = vector.broadcast %max3A_695 : f32 to vector<16xf32>
      %max3A_697 = arith.maximumf %add3A_694, %max3A_696 : vector<16xf32>
      %mul3A_698 = arith.constant 2 : i32
      %mul3A_699 = arith.muli %add3A_36, %mul3A_698 : i32
      %add3A_700 = arith.constant 0 : i32
      %add3A_701 = arith.addi %mul3A_699, %add3A_700 : i32
      %mul3A_702 = arith.constant 128 : i32
      %mul3A_703 = arith.muli %add3A_701, %mul3A_702 : i32
      %add3A_704 = arith.constant 16 : i32
      %add3A_705 = arith.addi %mul3A_703, %add3A_704 : i32
      %swap3A_706 = arith.index_cast %add3A_705 : i32 to index
      %swap3A_707 = tpu.vector_load %arg11[%swap3A_706] {strides = array<i32>} : memref<40960xf32, #tpu.memory_space<vmem>>, vector<16xf32>,
      %swap3A_708 = vector.shape_cast %swap3A_707 : vector<16xf32> to vector<16xf32>
      %swap3A_709 = vector.shape_cast %max3A_697 : vector<16xf32> to vector<16xf32>
      tpu.vector_store %arg11[%swap3A_706], %swap3A_709 {strides = array<i32>} : memref<40960xf32, #tpu.memory_space<vmem>>, vector<16xf32>,
      %get3A_710 = arith.constant 32 : index
      %get3A_711 = tpu.vector_load %arg10[%get3A_710] {strides = array<i32>} : memref<128xf32, #tpu.memory_space<vmem>>, vector<16xf32>,
      %get3A_712 = vector.shape_cast %get3A_711 : vector<16xf32> to vector<16xf32>
      %add3A_713 = arith.addf %scan3A_670#2, %get3A_712 : vector<16xf32>
      %max3A_714 = arith.constant 0.000000e+00 : f32
      %max3A_715 = vector.broadcast %max3A_714 : f32 to vector<16xf32>
      %max3A_716 = arith.maximumf %add3A_713, %max3A_715 : vector<16xf32>
      %mul3A_717 = arith.constant 2 : i32
      %mul3A_718 = arith.muli %add3A_36, %mul3A_717 : i32
      %add3A_719 = arith.constant 0 : i32
      %add3A_720 = arith.addi %mul3A_718, %add3A_719 : i32
      %mul3A_721 = arith.constant 128 : i32
      %mul3A_722 = arith.muli %add3A_720, %mul3A_721 : i32
      %add3A_723 = arith.constant 32 : i32
      %add3A_724 = arith.addi %mul3A_722, %add3A_723 : i32
      %swap3A_725 = arith.index_cast %add3A_724 : i32 to index
      %swap3A_726 = tpu.vector_load %arg11[%swap3A_725] {strides = array<i32>} : memref<40960xf32, #tpu.memory_space<vmem>>, vector<16xf32>,
      %swap3A_727 = vector.shape_cast %swap3A_726 : vector<16xf32> to vector<16xf32>
      %swap3A_728 = vector.shape_cast %max3A_716 : vector<16xf32> to vector<16xf32>
      tpu.vector_store %arg11[%swap3A_725], %swap3A_728 {strides = array<i32>} : memref<40960xf32, #tpu.memory_space<vmem>>, vector<16xf32>,
      %get3A_729 = arith.constant 48 : index
      %get3A_730 = tpu.vector_load %arg10[%get3A_729] {strides = array<i32>} : memref<128xf32, #tpu.memory_space<vmem>>, vector<16xf32>,
      %get3A_731 = vector.shape_cast %get3A_730 : vector<16xf32> to vector<16xf32>
      %add3A_732 = arith.addf %scan3A_670#3, %get3A_731 : vector<16xf32>
      %max3A_733 = arith.constant 0.000000e+00 : f32
      %max3A_734 = vector.broadcast %max3A_733 : f32 to vector<16xf32>
      %max3A_735 = arith.maximumf %add3A_732, %max3A_734 : vector<16xf32>
      %mul3A_736 = arith.constant 2 : i32
      %mul3A_737 = arith.muli %add3A_36, %mul3A_736 : i32
      %add3A_738 = arith.constant 0 : i32
      %add3A_739 = arith.addi %mul3A_737, %add3A_738 : i32
      %mul3A_740 = arith.constant 128 : i32
      %mul3A_741 = arith.muli %add3A_739, %mul3A_740 : i32
      %add3A_742 = arith.constant 48 : i32
      %add3A_743 = arith.addi %mul3A_741, %add3A_742 : i32
      %swap3A_744 = arith.index_cast %add3A_743 : i32 to index
      %swap3A_745 = tpu.vector_load %arg11[%swap3A_744] {strides = array<i32>} : memref<40960xf32, #tpu.memory_space<vmem>>, vector<16xf32>,
      %swap3A_746 = vector.shape_cast %swap3A_745 : vector<16xf32> to vector<16xf32>
      %swap3A_747 = vector.shape_cast %max3A_735 : vector<16xf32> to vector<16xf32>
      tpu.vector_store %arg11[%swap3A_744], %swap3A_747 {strides = array<i32>} : memref<40960xf32, #tpu.memory_space<vmem>>, vector<16xf32>,
      %get3A_748 = arith.constant 64 : index
      %get3A_749 = tpu.vector_load %arg10[%get3A_748] {strides = array<i32>} : memref<128xf32, #tpu.memory_space<vmem>>, vector<16xf32>,
      %get3A_750 = vector.shape_cast %get3A_749 : vector<16xf32> to vector<16xf32>
      %add3A_751 = arith.addf %scan3A_670#4, %get3A_750 : vector<16xf32>
      %max3A_752 = arith.constant 0.000000e+00 : f32
      %max3A_753 = vector.broadcast %max3A_752 : f32 to vector<16xf32>
      %max3A_754 = arith.maximumf %add3A_751, %max3A_753 : vector<16xf32>
      %mul3A_755 = arith.constant 2 : i32
      %mul3A_756 = arith.muli %add3A_36, %mul3A_755 : i32
      %add3A_757 = arith.constant 0 : i32
      %add3A_758 = arith.addi %mul3A_756, %add3A_757 : i32
      %mul3A_759 = arith.constant 128 : i32
      %mul3A_760 = arith.muli %add3A_758, %mul3A_759 : i32
      %add3A_761 = arith.constant 64 : i32
      %add3A_762 = arith.addi %mul3A_760, %add3A_761 : i32
      %swap3A_763 = arith.index_cast %add3A_762 : i32 to index
      %swap3A_764 = tpu.vector_load %arg11[%swap3A_763] {strides = array<i32>} : memref<40960xf32, #tpu.memory_space<vmem>>, vector<16xf32>,
      %swap3A_765 = vector.shape_cast %swap3A_764 : vector<16xf32> to vector<16xf32>
      %swap3A_766 = vector.shape_cast %max3A_754 : vector<16xf32> to vector<16xf32>
      tpu.vector_store %arg11[%swap3A_763], %swap3A_766 {strides = array<i32>} : memref<40960xf32, #tpu.memory_space<vmem>>, vector<16xf32>,
      %get3A_767 = arith.constant 80 : index
      %get3A_768 = tpu.vector_load %arg10[%get3A_767] {strides = array<i32>} : memref<128xf32, #tpu.memory_space<vmem>>, vector<16xf32>,
      %get3A_769 = vector.shape_cast %get3A_768 : vector<16xf32> to vector<16xf32>
      %add3A_770 = arith.addf %scan3A_670#5, %get3A_769 : vector<16xf32>
      %max3A_771 = arith.constant 0.000000e+00 : f32
      %max3A_772 = vector.broadcast %max3A_771 : f32 to vector<16xf32>
      %max3A_773 = arith.maximumf %add3A_770, %max3A_772 : vector<16xf32>
      %mul3A_774 = arith.constant 2 : i32
      %mul3A_775 = arith.muli %add3A_36, %mul3A_774 : i32
      %add3A_776 = arith.constant 0 : i32
      %add3A_777 = arith.addi %mul3A_775, %add3A_776 : i32
      %mul3A_778 = arith.constant 128 : i32
      %mul3A_779 = arith.muli %add3A_777, %mul3A_778 : i32
      %add3A_780 = arith.constant 80 : i32
      %add3A_781 = arith.addi %mul3A_779, %add3A_780 : i32
      %swap3A_782 = arith.index_cast %add3A_781 : i32 to index
      %swap3A_783 = tpu.vector_load %arg11[%swap3A_782] {strides = array<i32>} : memref<40960xf32, #tpu.memory_space<vmem>>, vector<16xf32>,
      %swap3A_784 = vector.shape_cast %swap3A_783 : vector<16xf32> to vector<16xf32>
      %swap3A_785 = vector.shape_cast %max3A_773 : vector<16xf32> to vector<16xf32>
      tpu.vector_store %arg11[%swap3A_782], %swap3A_785 {strides = array<i32>} : memref<40960xf32, #tpu.memory_space<vmem>>, vector<16xf32>,
      %get3A_786 = arith.constant 96 : index
      %get3A_787 = tpu.vector_load %arg10[%get3A_786] {strides = array<i32>} : memref<128xf32, #tpu.memory_space<vmem>>, vector<16xf32>,
      %get3A_788 = vector.shape_cast %get3A_787 : vector<16xf32> to vector<16xf32>
      %add3A_789 = arith.addf %scan3A_670#6, %get3A_788 : vector<16xf32>
      %max3A_790 = arith.constant 0.000000e+00 : f32
      %max3A_791 = vector.broadcast %max3A_790 : f32 to vector<16xf32>
      %max3A_792 = arith.maximumf %add3A_789, %max3A_791 : vector<16xf32>
      %mul3A_793 = arith.constant 2 : i32
      %mul3A_794 = arith.muli %add3A_36, %mul3A_793 : i32
      %add3A_795 = arith.constant 0 : i32
      %add3A_796 = arith.addi %mul3A_794, %add3A_795 : i32
      %mul3A_797 = arith.constant 128 : i32
      %mul3A_798 = arith.muli %add3A_796, %mul3A_797 : i32
      %add3A_799 = arith.constant 96 : i32
      %add3A_800 = arith.addi %mul3A_798, %add3A_799 : i32
      %swap3A_801 = arith.index_cast %add3A_800 : i32 to index
      %swap3A_802 = tpu.vector_load %arg11[%swap3A_801] {strides = array<i32>} : memref<40960xf32, #tpu.memory_space<vmem>>, vector<16xf32>,
      %swap3A_803 = vector.shape_cast %swap3A_802 : vector<16xf32> to vector<16xf32>
      %swap3A_804 = vector.shape_cast %max3A_792 : vector<16xf32> to vector<16xf32>
      tpu.vector_store %arg11[%swap3A_801], %swap3A_804 {strides = array<i32>} : memref<40960xf32, #tpu.memory_space<vmem>>, vector<16xf32>,
      %get3A_805 = arith.constant 112 : index
      %get3A_806 = tpu.vector_load %arg10[%get3A_805] {strides = array<i32>} : memref<128xf32, #tpu.memory_space<vmem>>, vector<16xf32>,
      %get3A_807 = vector.shape_cast %get3A_806 : vector<16xf32> to vector<16xf32>
      %add3A_808 = arith.addf %scan3A_670#7, %get3A_807 : vector<16xf32>
      %max3A_809 = arith.constant 0.000000e+00 : f32
      %max3A_810 = vector.broadcast %max3A_809 : f32 to vector<16xf32>
      %max3A_811 = arith.maximumf %add3A_808, %max3A_810 : vector<16xf32>
      %mul3A_812 = arith.constant 2 : i32
      %mul3A_813 = arith.muli %add3A_36, %mul3A_812 : i32
      %add3A_814 = arith.constant 0 : i32
      %add3A_815 = arith.addi %mul3A_813, %add3A_814 : i32
      %mul3A_816 = arith.constant 128 : i32
      %mul3A_817 = arith.muli %add3A_815, %mul3A_816 : i32
      %add3A_818 = arith.constant 112 : i32
      %add3A_819 = arith.addi %mul3A_817, %add3A_818 : i32
      %swap3A_820 = arith.index_cast %add3A_819 : i32 to index
      %swap3A_821 = tpu.vector_load %arg11[%swap3A_820] {strides = array<i32>} : memref<40960xf32, #tpu.memory_space<vmem>>, vector<16xf32>,
      %swap3A_822 = vector.shape_cast %swap3A_821 : vector<16xf32> to vector<16xf32>
      %swap3A_823 = vector.shape_cast %max3A_811 : vector<16xf32> to vector<16xf32>
      tpu.vector_store %arg11[%swap3A_820], %swap3A_823 {strides = array<i32>} : memref<40960xf32, #tpu.memory_space<vmem>>, vector<16xf32>,
      %get3A_824 = arith.constant 32 : i32
      %get3A_825 = arith.index_cast %get3A_824 : i32 to index
      %get3A_826 = arith.constant 0 : index
      %get3A_827 = tpu.vector_load %arg14[%get3A_825, %get3A_826] {strides = array<i32>} : memref<64x128xf32, #tpu.memory_space<vmem>>, vector<1x16xf32>,
      %get3A_828 = vector.shape_cast %get3A_827 : vector<1x16xf32> to vector<16xf32>
      %get3A_829 = arith.constant 32 : i32
      %get3A_830 = arith.index_cast %get3A_829 : i32 to index
      %get3A_831 = arith.constant 0 : index
      %get3A_832 = tpu.vector_load %arg15[%get3A_830, %get3A_831] {strides = array<i32>} : memref<64x128xf32, #tpu.memory_space<vmem>>, vector<1x16xf32>,
      %get3A_833 = vector.shape_cast %get3A_832 : vector<1x16xf32> to vector<16xf32>
      %add3A_834 = arith.addf %get3A_828, %get3A_833 : vector<16xf32>
      %get3A_835 = arith.constant 32 : i32
      %get3A_836 = arith.index_cast %get3A_835 : i32 to index
      %get3A_837 = arith.constant 16 : index
      %get3A_838 = tpu.vector_load %arg14[%get3A_836, %get3A_837] {strides = array<i32>} : memref<64x128xf32, #tpu.memory_space<vmem>>, vector<1x16xf32>,
      %get3A_839 = vector.shape_cast %get3A_838 : vector<1x16xf32> to vector<16xf32>
      %get3A_840 = arith.constant 32 : i32
      %get3A_841 = arith.index_cast %get3A_840 : i32 to index
      %get3A_842 = arith.constant 16 : index
      %get3A_843 = tpu.vector_load %arg15[%get3A_841, %get3A_842] {strides = array<i32>} : memref<64x128xf32, #tpu.memory_space<vmem>>, vector<1x16xf32>,
      %get3A_844 = vector.shape_cast %get3A_843 : vector<1x16xf32> to vector<16xf32>
      %add3A_845 = arith.addf %get3A_839, %get3A_844 : vector<16xf32>
      %get3A_846 = arith.constant 32 : i32
      %get3A_847 = arith.index_cast %get3A_846 : i32 to index
      %get3A_848 = arith.constant 32 : index
      %get3A_849 = tpu.vector_load %arg14[%get3A_847, %get3A_848] {strides = array<i32>} : memref<64x128xf32, #tpu.memory_space<vmem>>, vector<1x16xf32>,
      %get3A_850 = vector.shape_cast %get3A_849 : vector<1x16xf32> to vector<16xf32>
      %get3A_851 = arith.constant 32 : i32
      %get3A_852 = arith.index_cast %get3A_851 : i32 to index
      %get3A_853 = arith.constant 32 : index
      %get3A_854 = tpu.vector_load %arg15[%get3A_852, %get3A_853] {strides = array<i32>} : memref<64x128xf32, #tpu.memory_space<vmem>>, vector<1x16xf32>,
      %get3A_855 = vector.shape_cast %get3A_854 : vector<1x16xf32> to vector<16xf32>
      %add3A_856 = arith.addf %get3A_850, %get3A_855 : vector<16xf32>
      %get3A_857 = arith.constant 32 : i32
      %get3A_858 = arith.index_cast %get3A_857 : i32 to index
      %get3A_859 = arith.constant 48 : index
      %get3A_860 = tpu.vector_load %arg14[%get3A_858, %get3A_859] {strides = array<i32>} : memref<64x128xf32, #tpu.memory_space<vmem>>, vector<1x16xf32>,
      %get3A_861 = vector.shape_cast %get3A_860 : vector<1x16xf32> to vector<16xf32>
      %get3A_862 = arith.constant 32 : i32
      %get3A_863 = arith.index_cast %get3A_862 : i32 to index
      %get3A_864 = arith.constant 48 : index
      %get3A_865 = tpu.vector_load %arg15[%get3A_863, %get3A_864] {strides = array<i32>} : memref<64x128xf32, #tpu.memory_space<vmem>>, vector<1x16xf32>,
      %get3A_866 = vector.shape_cast %get3A_865 : vector<1x16xf32> to vector<16xf32>
      %add3A_867 = arith.addf %get3A_861, %get3A_866 : vector<16xf32>
      %get3A_868 = arith.constant 32 : i32
      %get3A_869 = arith.index_cast %get3A_868 : i32 to index
      %get3A_870 = arith.constant 64 : index
      %get3A_871 = tpu.vector_load %arg14[%get3A_869, %get3A_870] {strides = array<i32>} : memref<64x128xf32, #tpu.memory_space<vmem>>, vector<1x16xf32>,
      %get3A_872 = vector.shape_cast %get3A_871 : vector<1x16xf32> to vector<16xf32>
      %get3A_873 = arith.constant 32 : i32
      %get3A_874 = arith.index_cast %get3A_873 : i32 to index
      %get3A_875 = arith.constant 64 : index
      %get3A_876 = tpu.vector_load %arg15[%get3A_874, %get3A_875] {strides = array<i32>} : memref<64x128xf32, #tpu.memory_space<vmem>>, vector<1x16xf32>,
      %get3A_877 = vector.shape_cast %get3A_876 : vector<1x16xf32> to vector<16xf32>
      %add3A_878 = arith.addf %get3A_872, %get3A_877 : vector<16xf32>
      %get3A_879 = arith.constant 32 : i32
      %get3A_880 = arith.index_cast %get3A_879 : i32 to index
      %get3A_881 = arith.constant 80 : index
      %get3A_882 = tpu.vector_load %arg14[%get3A_880, %get3A_881] {strides = array<i32>} : memref<64x128xf32, #tpu.memory_space<vmem>>, vector<1x16xf32>,
      %get3A_883 = vector.shape_cast %get3A_882 : vector<1x16xf32> to vector<16xf32>
      %get3A_884 = arith.constant 32 : i32
      %get3A_885 = arith.index_cast %get3A_884 : i32 to index
      %get3A_886 = arith.constant 80 : index
      %get3A_887 = tpu.vector_load %arg15[%get3A_885, %get3A_886] {strides = array<i32>} : memref<64x128xf32, #tpu.memory_space<vmem>>, vector<1x16xf32>,
      %get3A_888 = vector.shape_cast %get3A_887 : vector<1x16xf32> to vector<16xf32>
      %add3A_889 = arith.addf %get3A_883, %get3A_888 : vector<16xf32>
      %get3A_890 = arith.constant 32 : i32
      %get3A_891 = arith.index_cast %get3A_890 : i32 to index
      %get3A_892 = arith.constant 96 : index
      %get3A_893 = tpu.vector_load %arg14[%get3A_891, %get3A_892] {strides = array<i32>} : memref<64x128xf32, #tpu.memory_space<vmem>>, vector<1x16xf32>,
      %get3A_894 = vector.shape_cast %get3A_893 : vector<1x16xf32> to vector<16xf32>
      %get3A_895 = arith.constant 32 : i32
      %get3A_896 = arith.index_cast %get3A_895 : i32 to index
      %get3A_897 = arith.constant 96 : index
      %get3A_898 = tpu.vector_load %arg15[%get3A_896, %get3A_897] {strides = array<i32>} : memref<64x128xf32, #tpu.memory_space<vmem>>, vector<1x16xf32>,
      %get3A_899 = vector.shape_cast %get3A_898 : vector<1x16xf32> to vector<16xf32>
      %add3A_900 = arith.addf %get3A_894, %get3A_899 : vector<16xf32>
      %get3A_901 = arith.constant 32 : i32
      %get3A_902 = arith.index_cast %get3A_901 : i32 to index
      %get3A_903 = arith.constant 112 : index
      %get3A_904 = tpu.vector_load %arg14[%get3A_902, %get3A_903] {strides = array<i32>} : memref<64x128xf32, #tpu.memory_space<vmem>>, vector<1x16xf32>,
      %get3A_905 = vector.shape_cast %get3A_904 : vector<1x16xf32> to vector<16xf32>
      %get3A_906 = arith.constant 32 : i32
      %get3A_907 = arith.index_cast %get3A_906 : i32 to index
      %get3A_908 = arith.constant 112 : index
      %get3A_909 = tpu.vector_load %arg15[%get3A_907, %get3A_908] {strides = array<i32>} : memref<64x128xf32, #tpu.memory_space<vmem>>, vector<1x16xf32>,
      %get3A_910 = vector.shape_cast %get3A_909 : vector<1x16xf32> to vector<16xf32>
      %add3A_911 = arith.addf %get3A_905, %get3A_910 : vector<16xf32>
      %scan3A_912 = arith.constant 1 : i32
      %scan3A_913 = arith.constant 31 : i32
      %scan3A_914 = arith.addi %scan3A_912, %scan3A_913 : i32
      %scan3A_915 = arith.constant 1 : i32
      %scan3A_916:8 = scf.for %scan3A_1070 = %scan3A_912 to %scan3A_914 step %scan3A_915 iter_args(%scan3A_1071 = %add3A_834, %scan3A_1072 = %add3A_845, %scan3A_1073 = %add3A_856, %scan3A_1074 = %add3A_867, %scan3A_1075 = %add3A_878, %scan3A_1076 = %add3A_889, %scan3A_1077 = %add3A_900, %scan3A_1078 = %add3A_911) -> (vector<16xf32>, vector<16xf32>, vector<16xf32>, vector<16xf32>, vector<16xf32>, vector<16xf32>, vector<16xf32>, vector<16xf32>)  : i32 {
        %add3A_1079 = arith.constant 32 : i32
        %add3A_1080 = arith.addi %add3A_1079, %scan3A_1070 : i32
        %get3A_1081 = arith.index_cast %add3A_1080 : i32 to index
        %get3A_1082 = arith.constant 0 : index
        %get3A_1083 = tpu.vector_load %arg14[%get3A_1081, %get3A_1082] {strides = array<i32>} : memref<64x128xf32, #tpu.memory_space<vmem>>, vector<1x16xf32>,
        %get3A_1084 = vector.shape_cast %get3A_1083 : vector<1x16xf32> to vector<16xf32>
        %add3A_1085 = arith.constant 32 : i32
        %add3A_1086 = arith.addi %add3A_1085, %scan3A_1070 : i32
        %get3A_1087 = arith.index_cast %add3A_1086 : i32 to index
        %get3A_1088 = arith.constant 0 : index
        %get3A_1089 = tpu.vector_load %arg15[%get3A_1087, %get3A_1088] {strides = array<i32>} : memref<64x128xf32, #tpu.memory_space<vmem>>, vector<1x16xf32>,
        %get3A_1090 = vector.shape_cast %get3A_1089 : vector<1x16xf32> to vector<16xf32>
        %add3A_1091 = arith.addf %get3A_1084, %get3A_1090 : vector<16xf32>
        %max3A_1092 = arith.maximumf %scan3A_1071, %add3A_1091 : vector<16xf32>
        %add3A_1093 = arith.constant 32 : i32
        %add3A_1094 = arith.addi %add3A_1093, %scan3A_1070 : i32
        %get3A_1095 = arith.index_cast %add3A_1094 : i32 to index
        %get3A_1096 = arith.constant 16 : index
        %get3A_1097 = tpu.vector_load %arg14[%get3A_1095, %get3A_1096] {strides = array<i32>} : memref<64x128xf32, #tpu.memory_space<vmem>>, vector<1x16xf32>,
        %get3A_1098 = vector.shape_cast %get3A_1097 : vector<1x16xf32> to vector<16xf32>
        %add3A_1099 = arith.constant 32 : i32
        %add3A_1100 = arith.addi %add3A_1099, %scan3A_1070 : i32
        %get3A_1101 = arith.index_cast %add3A_1100 : i32 to index
        %get3A_1102 = arith.constant 16 : index
        %get3A_1103 = tpu.vector_load %arg15[%get3A_1101, %get3A_1102] {strides = array<i32>} : memref<64x128xf32, #tpu.memory_space<vmem>>, vector<1x16xf32>,
        %get3A_1104 = vector.shape_cast %get3A_1103 : vector<1x16xf32> to vector<16xf32>
        %add3A_1105 = arith.addf %get3A_1098, %get3A_1104 : vector<16xf32>
        %max3A_1106 = arith.maximumf %scan3A_1072, %add3A_1105 : vector<16xf32>
        %add3A_1107 = arith.constant 32 : i32
        %add3A_1108 = arith.addi %add3A_1107, %scan3A_1070 : i32
        %get3A_1109 = arith.index_cast %add3A_1108 : i32 to index
        %get3A_1110 = arith.constant 32 : index
        %get3A_1111 = tpu.vector_load %arg14[%get3A_1109, %get3A_1110] {strides = array<i32>} : memref<64x128xf32, #tpu.memory_space<vmem>>, vector<1x16xf32>,
        %get3A_1112 = vector.shape_cast %get3A_1111 : vector<1x16xf32> to vector<16xf32>
        %add3A_1113 = arith.constant 32 : i32
        %add3A_1114 = arith.addi %add3A_1113, %scan3A_1070 : i32
        %get3A_1115 = arith.index_cast %add3A_1114 : i32 to index
        %get3A_1116 = arith.constant 32 : index
        %get3A_1117 = tpu.vector_load %arg15[%get3A_1115, %get3A_1116] {strides = array<i32>} : memref<64x128xf32, #tpu.memory_space<vmem>>, vector<1x16xf32>,
        %get3A_1118 = vector.shape_cast %get3A_1117 : vector<1x16xf32> to vector<16xf32>
        %add3A_1119 = arith.addf %get3A_1112, %get3A_1118 : vector<16xf32>
        %max3A_1120 = arith.maximumf %scan3A_1073, %add3A_1119 : vector<16xf32>
        %add3A_1121 = arith.constant 32 : i32
        %add3A_1122 = arith.addi %add3A_1121, %scan3A_1070 : i32
        %get3A_1123 = arith.index_cast %add3A_1122 : i32 to index
        %get3A_1124 = arith.constant 48 : index
        %get3A_1125 = tpu.vector_load %arg14[%get3A_1123, %get3A_1124] {strides = array<i32>} : memref<64x128xf32, #tpu.memory_space<vmem>>, vector<1x16xf32>,
        %get3A_1126 = vector.shape_cast %get3A_1125 : vector<1x16xf32> to vector<16xf32>
        %add3A_1127 = arith.constant 32 : i32
        %add3A_1128 = arith.addi %add3A_1127, %scan3A_1070 : i32
        %get3A_1129 = arith.index_cast %add3A_1128 : i32 to index
        %get3A_1130 = arith.constant 48 : index
        %get3A_1131 = tpu.vector_load %arg15[%get3A_1129, %get3A_1130] {strides = array<i32>} : memref<64x128xf32, #tpu.memory_space<vmem>>, vector<1x16xf32>,
        %get3A_1132 = vector.shape_cast %get3A_1131 : vector<1x16xf32> to vector<16xf32>
        %add3A_1133 = arith.addf %get3A_1126, %get3A_1132 : vector<16xf32>
        %max3A_1134 = arith.maximumf %scan3A_1074, %add3A_1133 : vector<16xf32>
        %add3A_1135 = arith.constant 32 : i32
        %add3A_1136 = arith.addi %add3A_1135, %scan3A_1070 : i32
        %get3A_1137 = arith.index_cast %add3A_1136 : i32 to index
        %get3A_1138 = arith.constant 64 : index
        %get3A_1139 = tpu.vector_load %arg14[%get3A_1137, %get3A_1138] {strides = array<i32>} : memref<64x128xf32, #tpu.memory_space<vmem>>, vector<1x16xf32>,
        %get3A_1140 = vector.shape_cast %get3A_1139 : vector<1x16xf32> to vector<16xf32>
        %add3A_1141 = arith.constant 32 : i32
        %add3A_1142 = arith.addi %add3A_1141, %scan3A_1070 : i32
        %get3A_1143 = arith.index_cast %add3A_1142 : i32 to index
        %get3A_1144 = arith.constant 64 : index
        %get3A_1145 = tpu.vector_load %arg15[%get3A_1143, %get3A_1144] {strides = array<i32>} : memref<64x128xf32, #tpu.memory_space<vmem>>, vector<1x16xf32>,
        %get3A_1146 = vector.shape_cast %get3A_1145 : vector<1x16xf32> to vector<16xf32>
        %add3A_1147 = arith.addf %get3A_1140, %get3A_1146 : vector<16xf32>
        %max3A_1148 = arith.maximumf %scan3A_1075, %add3A_1147 : vector<16xf32>
        %add3A_1149 = arith.constant 32 : i32
        %add3A_1150 = arith.addi %add3A_1149, %scan3A_1070 : i32
        %get3A_1151 = arith.index_cast %add3A_1150 : i32 to index
        %get3A_1152 = arith.constant 80 : index
        %get3A_1153 = tpu.vector_load %arg14[%get3A_1151, %get3A_1152] {strides = array<i32>} : memref<64x128xf32, #tpu.memory_space<vmem>>, vector<1x16xf32>,
        %get3A_1154 = vector.shape_cast %get3A_1153 : vector<1x16xf32> to vector<16xf32>
        %add3A_1155 = arith.constant 32 : i32
        %add3A_1156 = arith.addi %add3A_1155, %scan3A_1070 : i32
        %get3A_1157 = arith.index_cast %add3A_1156 : i32 to index
        %get3A_1158 = arith.constant 80 : index
        %get3A_1159 = tpu.vector_load %arg15[%get3A_1157, %get3A_1158] {strides = array<i32>} : memref<64x128xf32, #tpu.memory_space<vmem>>, vector<1x16xf32>,
        %get3A_1160 = vector.shape_cast %get3A_1159 : vector<1x16xf32> to vector<16xf32>
        %add3A_1161 = arith.addf %get3A_1154, %get3A_1160 : vector<16xf32>
        %max3A_1162 = arith.maximumf %scan3A_1076, %add3A_1161 : vector<16xf32>
        %add3A_1163 = arith.constant 32 : i32
        %add3A_1164 = arith.addi %add3A_1163, %scan3A_1070 : i32
        %get3A_1165 = arith.index_cast %add3A_1164 : i32 to index
        %get3A_1166 = arith.constant 96 : index
        %get3A_1167 = tpu.vector_load %arg14[%get3A_1165, %get3A_1166] {strides = array<i32>} : memref<64x128xf32, #tpu.memory_space<vmem>>, vector<1x16xf32>,
        %get3A_1168 = vector.shape_cast %get3A_1167 : vector<1x16xf32> to vector<16xf32>
        %add3A_1169 = arith.constant 32 : i32
        %add3A_1170 = arith.addi %add3A_1169, %scan3A_1070 : i32
        %get3A_1171 = arith.index_cast %add3A_1170 : i32 to index
        %get3A_1172 = arith.constant 96 : index
        %get3A_1173 = tpu.vector_load %arg15[%get3A_1171, %get3A_1172] {strides = array<i32>} : memref<64x128xf32, #tpu.memory_space<vmem>>, vector<1x16xf32>,
        %get3A_1174 = vector.shape_cast %get3A_1173 : vector<1x16xf32> to vector<16xf32>
        %add3A_1175 = arith.addf %get3A_1168, %get3A_1174 : vector<16xf32>
        %max3A_1176 = arith.maximumf %scan3A_1077, %add3A_1175 : vector<16xf32>
        %add3A_1177 = arith.constant 32 : i32
        %add3A_1178 = arith.addi %add3A_1177, %scan3A_1070 : i32
        %get3A_1179 = arith.index_cast %add3A_1178 : i32 to index
        %get3A_1180 = arith.constant 112 : index
        %get3A_1181 = tpu.vector_load %arg14[%get3A_1179, %get3A_1180] {strides = array<i32>} : memref<64x128xf32, #tpu.memory_space<vmem>>, vector<1x16xf32>,
        %get3A_1182 = vector.shape_cast %get3A_1181 : vector<1x16xf32> to vector<16xf32>
        %add3A_1183 = arith.constant 32 : i32
        %add3A_1184 = arith.addi %add3A_1183, %scan3A_1070 : i32
        %get3A_1185 = arith.index_cast %add3A_1184 : i32 to index
        %get3A_1186 = arith.constant 112 : index
        %get3A_1187 = tpu.vector_load %arg15[%get3A_1185, %get3A_1186] {strides = array<i32>} : memref<64x128xf32, #tpu.memory_space<vmem>>, vector<1x16xf32>,
        %get3A_1188 = vector.shape_cast %get3A_1187 : vector<1x16xf32> to vector<16xf32>
        %add3A_1189 = arith.addf %get3A_1182, %get3A_1188 : vector<16xf32>
        %max3A_1190 = arith.maximumf %scan3A_1078, %add3A_1189 : vector<16xf32>
        scf.yield %max3A_1092, %max3A_1106, %max3A_1120, %max3A_1134, %max3A_1148, %max3A_1162, %max3A_1176, %max3A_1190 : vector<16xf32>, vector<16xf32>, vector<16xf32>, vector<16xf32>, vector<16xf32>, vector<16xf32>, vector<16xf32>, vector<16xf32>
      }
      %scan3A_917 = arith.constant 31 : i32
      %get3A_918 = arith.constant 0 : index
      %get3A_919 = tpu.vector_load %arg10[%get3A_918] {strides = array<i32>} : memref<128xf32, #tpu.memory_space<vmem>>, vector<16xf32>,
      %get3A_920 = vector.shape_cast %get3A_919 : vector<16xf32> to vector<16xf32>
      %add3A_921 = arith.addf %scan3A_916#0, %get3A_920 : vector<16xf32>
      %max3A_922 = arith.constant 0.000000e+00 : f32
      %max3A_923 = vector.broadcast %max3A_922 : f32 to vector<16xf32>
      %max3A_924 = arith.maximumf %add3A_921, %max3A_923 : vector<16xf32>
      %mul3A_925 = arith.constant 2 : i32
      %mul3A_926 = arith.muli %add3A_36, %mul3A_925 : i32
      %add3A_927 = arith.constant 1 : i32
      %add3A_928 = arith.addi %mul3A_926, %add3A_927 : i32
      %mul3A_929 = arith.constant 128 : i32
      %mul3A_930 = arith.muli %add3A_928, %mul3A_929 : i32
      %add3A_931 = arith.constant 0 : i32
      %add3A_932 = arith.addi %mul3A_930, %add3A_931 : i32
      %swap3A_933 = arith.index_cast %add3A_932 : i32 to index
      %swap3A_934 = tpu.vector_load %arg11[%swap3A_933] {strides = array<i32>} : memref<40960xf32, #tpu.memory_space<vmem>>, vector<16xf32>,
      %swap3A_935 = vector.shape_cast %swap3A_934 : vector<16xf32> to vector<16xf32>
      %swap3A_936 = vector.shape_cast %max3A_924 : vector<16xf32> to vector<16xf32>
      tpu.vector_store %arg11[%swap3A_933], %swap3A_936 {strides = array<i32>} : memref<40960xf32, #tpu.memory_space<vmem>>, vector<16xf32>,
      %get3A_937 = arith.constant 16 : index
      %get3A_938 = tpu.vector_load %arg10[%get3A_937] {strides = array<i32>} : memref<128xf32, #tpu.memory_space<vmem>>, vector<16xf32>,
      %get3A_939 = vector.shape_cast %get3A_938 : vector<16xf32> to vector<16xf32>
      %add3A_940 = arith.addf %scan3A_916#1, %get3A_939 : vector<16xf32>
      %max3A_941 = arith.constant 0.000000e+00 : f32
      %max3A_942 = vector.broadcast %max3A_941 : f32 to vector<16xf32>
      %max3A_943 = arith.maximumf %add3A_940, %max3A_942 : vector<16xf32>
      %mul3A_944 = arith.constant 2 : i32
      %mul3A_945 = arith.muli %add3A_36, %mul3A_944 : i32
      %add3A_946 = arith.constant 1 : i32
      %add3A_947 = arith.addi %mul3A_945, %add3A_946 : i32
      %mul3A_948 = arith.constant 128 : i32
      %mul3A_949 = arith.muli %add3A_947, %mul3A_948 : i32
      %add3A_950 = arith.constant 16 : i32
      %add3A_951 = arith.addi %mul3A_949, %add3A_950 : i32
      %swap3A_952 = arith.index_cast %add3A_951 : i32 to index
      %swap3A_953 = tpu.vector_load %arg11[%swap3A_952] {strides = array<i32>} : memref<40960xf32, #tpu.memory_space<vmem>>, vector<16xf32>,
      %swap3A_954 = vector.shape_cast %swap3A_953 : vector<16xf32> to vector<16xf32>
      %swap3A_955 = vector.shape_cast %max3A_943 : vector<16xf32> to vector<16xf32>
      tpu.vector_store %arg11[%swap3A_952], %swap3A_955 {strides = array<i32>} : memref<40960xf32, #tpu.memory_space<vmem>>, vector<16xf32>,
      %get3A_956 = arith.constant 32 : index
      %get3A_957 = tpu.vector_load %arg10[%get3A_956] {strides = array<i32>} : memref<128xf32, #tpu.memory_space<vmem>>, vector<16xf32>,
      %get3A_958 = vector.shape_cast %get3A_957 : vector<16xf32> to vector<16xf32>
      %add3A_959 = arith.addf %scan3A_916#2, %get3A_958 : vector<16xf32>
      %max3A_960 = arith.constant 0.000000e+00 : f32
      %max3A_961 = vector.broadcast %max3A_960 : f32 to vector<16xf32>
      %max3A_962 = arith.maximumf %add3A_959, %max3A_961 : vector<16xf32>
      %mul3A_963 = arith.constant 2 : i32
      %mul3A_964 = arith.muli %add3A_36, %mul3A_963 : i32
      %add3A_965 = arith.constant 1 : i32
      %add3A_966 = arith.addi %mul3A_964, %add3A_965 : i32
      %mul3A_967 = arith.constant 128 : i32
      %mul3A_968 = arith.muli %add3A_966, %mul3A_967 : i32
      %add3A_969 = arith.constant 32 : i32
      %add3A_970 = arith.addi %mul3A_968, %add3A_969 : i32
      %swap3A_971 = arith.index_cast %add3A_970 : i32 to index
      %swap3A_972 = tpu.vector_load %arg11[%swap3A_971] {strides = array<i32>} : memref<40960xf32, #tpu.memory_space<vmem>>, vector<16xf32>,
      %swap3A_973 = vector.shape_cast %swap3A_972 : vector<16xf32> to vector<16xf32>
      %swap3A_974 = vector.shape_cast %max3A_962 : vector<16xf32> to vector<16xf32>
      tpu.vector_store %arg11[%swap3A_971], %swap3A_974 {strides = array<i32>} : memref<40960xf32, #tpu.memory_space<vmem>>, vector<16xf32>,
      %get3A_975 = arith.constant 48 : index
      %get3A_976 = tpu.vector_load %arg10[%get3A_975] {strides = array<i32>} : memref<128xf32, #tpu.memory_space<vmem>>, vector<16xf32>,
      %get3A_977 = vector.shape_cast %get3A_976 : vector<16xf32> to vector<16xf32>
      %add3A_978 = arith.addf %scan3A_916#3, %get3A_977 : vector<16xf32>
      %max3A_979 = arith.constant 0.000000e+00 : f32
      %max3A_980 = vector.broadcast %max3A_979 : f32 to vector<16xf32>
      %max3A_981 = arith.maximumf %add3A_978, %max3A_980 : vector<16xf32>
      %mul3A_982 = arith.constant 2 : i32
      %mul3A_983 = arith.muli %add3A_36, %mul3A_982 : i32
      %add3A_984 = arith.constant 1 : i32
      %add3A_985 = arith.addi %mul3A_983, %add3A_984 : i32
      %mul3A_986 = arith.constant 128 : i32
      %mul3A_987 = arith.muli %add3A_985, %mul3A_986 : i32
      %add3A_988 = arith.constant 48 : i32
      %add3A_989 = arith.addi %mul3A_987, %add3A_988 : i32
      %swap3A_990 = arith.index_cast %add3A_989 : i32 to index
      %swap3A_991 = tpu.vector_load %arg11[%swap3A_990] {strides = array<i32>} : memref<40960xf32, #tpu.memory_space<vmem>>, vector<16xf32>,
      %swap3A_992 = vector.shape_cast %swap3A_991 : vector<16xf32> to vector<16xf32>
      %swap3A_993 = vector.shape_cast %max3A_981 : vector<16xf32> to vector<16xf32>
      tpu.vector_store %arg11[%swap3A_990], %swap3A_993 {strides = array<i32>} : memref<40960xf32, #tpu.memory_space<vmem>>, vector<16xf32>,
      %get3A_994 = arith.constant 64 : index
      %get3A_995 = tpu.vector_load %arg10[%get3A_994] {strides = array<i32>} : memref<128xf32, #tpu.memory_space<vmem>>, vector<16xf32>,
      %get3A_996 = vector.shape_cast %get3A_995 : vector<16xf32> to vector<16xf32>
      %add3A_997 = arith.addf %scan3A_916#4, %get3A_996 : vector<16xf32>
      %max3A_998 = arith.constant 0.000000e+00 : f32
      %max3A_999 = vector.broadcast %max3A_998 : f32 to vector<16xf32>
      %max3A_1000 = arith.maximumf %add3A_997, %max3A_999 : vector<16xf32>
      %mul3A_1001 = arith.constant 2 : i32
      %mul3A_1002 = arith.muli %add3A_36, %mul3A_1001 : i32
      %add3A_1003 = arith.constant 1 : i32
      %add3A_1004 = arith.addi %mul3A_1002, %add3A_1003 : i32
      %mul3A_1005 = arith.constant 128 : i32
      %mul3A_1006 = arith.muli %add3A_1004, %mul3A_1005 : i32
      %add3A_1007 = arith.constant 64 : i32
      %add3A_1008 = arith.addi %mul3A_1006, %add3A_1007 : i32
      %swap3A_1009 = arith.index_cast %add3A_1008 : i32 to index
      %swap3A_1010 = tpu.vector_load %arg11[%swap3A_1009] {strides = array<i32>} : memref<40960xf32, #tpu.memory_space<vmem>>, vector<16xf32>,
      %swap3A_1011 = vector.shape_cast %swap3A_1010 : vector<16xf32> to vector<16xf32>
      %swap3A_1012 = vector.shape_cast %max3A_1000 : vector<16xf32> to vector<16xf32>
      tpu.vector_store %arg11[%swap3A_1009], %swap3A_1012 {strides = array<i32>} : memref<40960xf32, #tpu.memory_space<vmem>>, vector<16xf32>,
      %get3A_1013 = arith.constant 80 : index
      %get3A_1014 = tpu.vector_load %arg10[%get3A_1013] {strides = array<i32>} : memref<128xf32, #tpu.memory_space<vmem>>, vector<16xf32>,
      %get3A_1015 = vector.shape_cast %get3A_1014 : vector<16xf32> to vector<16xf32>
      %add3A_1016 = arith.addf %scan3A_916#5, %get3A_1015 : vector<16xf32>
      %max3A_1017 = arith.constant 0.000000e+00 : f32
      %max3A_1018 = vector.broadcast %max3A_1017 : f32 to vector<16xf32>
      %max3A_1019 = arith.maximumf %add3A_1016, %max3A_1018 : vector<16xf32>
      %mul3A_1020 = arith.constant 2 : i32
      %mul3A_1021 = arith.muli %add3A_36, %mul3A_1020 : i32
      %add3A_1022 = arith.constant 1 : i32
      %add3A_1023 = arith.addi %mul3A_1021, %add3A_1022 : i32
      %mul3A_1024 = arith.constant 128 : i32
      %mul3A_1025 = arith.muli %add3A_1023, %mul3A_1024 : i32
      %add3A_1026 = arith.constant 80 : i32
      %add3A_1027 = arith.addi %mul3A_1025, %add3A_1026 : i32
      %swap3A_1028 = arith.index_cast %add3A_1027 : i32 to index
      %swap3A_1029 = tpu.vector_load %arg11[%swap3A_1028] {strides = array<i32>} : memref<40960xf32, #tpu.memory_space<vmem>>, vector<16xf32>,
      %swap3A_1030 = vector.shape_cast %swap3A_1029 : vector<16xf32> to vector<16xf32>
      %swap3A_1031 = vector.shape_cast %max3A_1019 : vector<16xf32> to vector<16xf32>
      tpu.vector_store %arg11[%swap3A_1028], %swap3A_1031 {strides = array<i32>} : memref<40960xf32, #tpu.memory_space<vmem>>, vector<16xf32>,
      %get3A_1032 = arith.constant 96 : index
      %get3A_1033 = tpu.vector_load %arg10[%get3A_1032] {strides = array<i32>} : memref<128xf32, #tpu.memory_space<vmem>>, vector<16xf32>,
      %get3A_1034 = vector.shape_cast %get3A_1033 : vector<16xf32> to vector<16xf32>
      %add3A_1035 = arith.addf %scan3A_916#6, %get3A_1034 : vector<16xf32>
      %max3A_1036 = arith.constant 0.000000e+00 : f32
      %max3A_1037 = vector.broadcast %max3A_1036 : f32 to vector<16xf32>
      %max3A_1038 = arith.maximumf %add3A_1035, %max3A_1037 : vector<16xf32>
      %mul3A_1039 = arith.constant 2 : i32
      %mul3A_1040 = arith.muli %add3A_36, %mul3A_1039 : i32
      %add3A_1041 = arith.constant 1 : i32
      %add3A_1042 = arith.addi %mul3A_1040, %add3A_1041 : i32
      %mul3A_1043 = arith.constant 128 : i32
      %mul3A_1044 = arith.muli %add3A_1042, %mul3A_1043 : i32
      %add3A_1045 = arith.constant 96 : i32
      %add3A_1046 = arith.addi %mul3A_1044, %add3A_1045 : i32
      %swap3A_1047 = arith.index_cast %add3A_1046 : i32 to index
      %swap3A_1048 = tpu.vector_load %arg11[%swap3A_1047] {strides = array<i32>} : memref<40960xf32, #tpu.memory_space<vmem>>, vector<16xf32>,
      %swap3A_1049 = vector.shape_cast %swap3A_1048 : vector<16xf32> to vector<16xf32>
      %swap3A_1050 = vector.shape_cast %max3A_1038 : vector<16xf32> to vector<16xf32>
      tpu.vector_store %arg11[%swap3A_1047], %swap3A_1050 {strides = array<i32>} : memref<40960xf32, #tpu.memory_space<vmem>>, vector<16xf32>,
      %get3A_1051 = arith.constant 112 : index
      %get3A_1052 = tpu.vector_load %arg10[%get3A_1051] {strides = array<i32>} : memref<128xf32, #tpu.memory_space<vmem>>, vector<16xf32>,
      %get3A_1053 = vector.shape_cast %get3A_1052 : vector<16xf32> to vector<16xf32>
      %add3A_1054 = arith.addf %scan3A_916#7, %get3A_1053 : vector<16xf32>
      %max3A_1055 = arith.constant 0.000000e+00 : f32
      %max3A_1056 = vector.broadcast %max3A_1055 : f32 to vector<16xf32>
      %max3A_1057 = arith.maximumf %add3A_1054, %max3A_1056 : vector<16xf32>
      %mul3A_1058 = arith.constant 2 : i32
      %mul3A_1059 = arith.muli %add3A_36, %mul3A_1058 : i32
      %add3A_1060 = arith.constant 1 : i32
      %add3A_1061 = arith.addi %mul3A_1059, %add3A_1060 : i32
      %mul3A_1062 = arith.constant 128 : i32
      %mul3A_1063 = arith.muli %add3A_1061, %mul3A_1062 : i32
      %add3A_1064 = arith.constant 112 : i32
      %add3A_1065 = arith.addi %mul3A_1063, %add3A_1064 : i32
      %swap3A_1066 = arith.index_cast %add3A_1065 : i32 to index
      %swap3A_1067 = tpu.vector_load %arg11[%swap3A_1066] {strides = array<i32>} : memref<40960xf32, #tpu.memory_space<vmem>>, vector<16xf32>,
      %swap3A_1068 = vector.shape_cast %swap3A_1067 : vector<16xf32> to vector<16xf32>
      %swap3A_1069 = vector.shape_cast %max3A_1057 : vector<16xf32> to vector<16xf32>
      tpu.vector_store %arg11[%swap3A_1066], %swap3A_1069 {strides = array<i32>} : memref<40960xf32, #tpu.memory_space<vmem>>, vector<16xf32>,
    }
    %scan3A_18 = arith.constant 80 : i32
    %dma_wait3A = arith.constant 160 : i32
    %dma_wait3A_19 = arith.constant 0 : i32
    %dma_wait3A_20 = tpu.memref_slice %arg8[%dma_wait3A, %dma_wait3A_19] : memref<161x64xi32, #tpu.memory_space<vmem>> -> memref<1x64xi32, #tpu.memory_space<vmem>>
    %dma_wait3A_21 = tpu.memref_squeeze %dma_wait3A_20 : memref<1x64xi32, #tpu.memory_space<vmem>> -> memref<64xi32, #tpu.memory_space<vmem>>
    %dma_wait3A_22 = arith.constant 0 : i32
    %dma_wait3A_23 = arith.constant 0 : i32
    %dma_wait3A_24 = tpu.memref_slice %arg2[%dma_wait3A_22, %dma_wait3A_23] : memref<10000x128xf32, #tpu.memory_space<hbm>> -> memref<10000x128xf32, #tpu.memory_space<hbm>>
    tpu.wait_indirect_dma semaphore(%arg16 : memref<!tpu.dma_semaphore, #tpu.memory_space<semaphore_mem>>) src(%dma_wait3A_24 : memref<10000x128xf32, #tpu.memory_space<hbm>>) dst(%arg12 : memref<64x128xf32, #tpu.memory_space<vmem>>)
    %dma_wait3A_25 = arith.constant 160 : i32
    %dma_wait3A_26 = arith.constant 0 : i32
    %dma_wait3A_27 = tpu.memref_slice %arg9[%dma_wait3A_25, %dma_wait3A_26] : memref<161x64xi32, #tpu.memory_space<vmem>> -> memref<1x64xi32, #tpu.memory_space<vmem>>
    %dma_wait3A_28 = tpu.memref_squeeze %dma_wait3A_27 : memref<1x64xi32, #tpu.memory_space<vmem>> -> memref<64xi32, #tpu.memory_space<vmem>>
    %dma_wait3A_29 = arith.constant 0 : i32
    %dma_wait3A_30 = arith.constant 0 : i32
    %dma_wait3A_31 = tpu.memref_slice %arg3[%dma_wait3A_29, %dma_wait3A_30] : memref<10000x128xf32, #tpu.memory_space<hbm>> -> memref<10000x128xf32, #tpu.memory_space<hbm>>
    tpu.wait_indirect_dma semaphore(%arg17 : memref<!tpu.dma_semaphore, #tpu.memory_space<semaphore_mem>>) src(%dma_wait3A_31 : memref<10000x128xf32, #tpu.memory_space<hbm>>) dst(%arg13 : memref<64x128xf32, #tpu.memory_space<vmem>>)
    "tpu.region"() ({
      %run_scoped3A = tpu.sem_alloc : memref<!tpu.dma_semaphore, #tpu.memory_space<semaphore_mem>>
      %dma_start3A_32 = arith.constant 0 : i32
      %dma_start3A_33 = tpu.memref_slice %arg7[%add3A, %dma_start3A_32] : memref<32x40960xf32, #tpu.memory_space<hbm>> -> memref<1x40960xf32, #tpu.memory_space<hbm>>
      %dma_start3A_34 = tpu.memref_squeeze %dma_start3A_33 : memref<1x40960xf32, #tpu.memory_space<hbm>> -> memref<40960xf32, #tpu.memory_space<hbm>>
      %dma_start3A_35 = arith.constant 0 : i32
      %dma_start3A_36 = tpu.memref_slice %arg7[%add3A, %dma_start3A_35] : memref<32x40960xf32, #tpu.memory_space<hbm>> -> memref<1x40960xf32, #tpu.memory_space<hbm>>
      %dma_start3A_37 = tpu.memref_squeeze %dma_start3A_36 : memref<1x40960xf32, #tpu.memory_space<hbm>> -> memref<40960xf32, #tpu.memory_space<hbm>>
      tpu.enqueue_dma source(%arg11 : memref<40960xf32, #tpu.memory_space<vmem>>) target(%dma_start3A_37 : memref<40960xf32, #tpu.memory_space<hbm>>) target_semaphore(%run_scoped3A : memref<!tpu.dma_semaphore, #tpu.memory_space<semaphore_mem>>)
      %dma_wait3A_38 = arith.constant 0 : i32
      %dma_wait3A_39 = tpu.memref_slice %arg7[%add3A, %dma_wait3A_38] : memref<32x40960xf32, #tpu.memory_space<hbm>> -> memref<1x40960xf32, #tpu.memory_space<hbm>>
      %dma_wait3A_40 = tpu.memref_squeeze %dma_wait3A_39 : memref<1x40960xf32, #tpu.memory_space<hbm>> -> memref<40960xf32, #tpu.memory_space<hbm>>
      %dma_wait3A_41 = arith.constant 0 : i32
      %dma_wait3A_42 = tpu.memref_slice %arg7[%add3A, %dma_wait3A_41] : memref<32x40960xf32, #tpu.memory_space<hbm>> -> memref<1x40960xf32, #tpu.memory_space<hbm>>
      %dma_wait3A_43 = tpu.memref_squeeze %dma_wait3A_42 : memref<1x40960xf32, #tpu.memory_space<hbm>> -> memref<40960xf32, #tpu.memory_space<hbm>>
      tpu.wait_dma2 semaphore(%run_scoped3A : memref<!tpu.dma_semaphore, #tpu.memory_space<semaphore_mem>>) src(%arg11 : memref<40960xf32, #tpu.memory_space<vmem>>) dst(%dma_wait3A_43 : memref<40960xf32, #tpu.memory_space<hbm>>)
      tpu.yield
    }) : () -> ()
    return
  }
}

module attributes {stable_mosaic.version = 14 : i64} {
  func.func @_mm_body(%arg0: i32, %arg1: memref<2000x128xf32, #tpu.memory_space<vmem>>, %arg2: memref<128x128xf32, #tpu.memory_space<vmem>>, %arg3: memref<128x128xf32, #tpu.memory_space<vmem>>, %arg4: memref<2000x128xf32, #tpu.memory_space<vmem>>, %arg5: memref<2000x128xf32, #tpu.memory_space<vmem>>) attributes {dimension_semantics = [#tpu.dimension_semantics<arbitrary>], iteration_bounds = array<i64: 5>, scalar_prefetch = 0 : i64, scratch_operands = 0 : i64, tpu.core_type = #tpu.core_type<tc>, window_params = [{transform_indices = @transform_0, window_bounds = array<i64: 2000, 128>}, {pipeline_mode = #tpu.pipeline_mode<synchronous>, transform_indices = @transform_1, window_bounds = array<i64: 128, 128>}, {pipeline_mode = #tpu.pipeline_mode<synchronous>, transform_indices = @transform_2, window_bounds = array<i64: 128, 128>}, {transform_indices = @transform_3, window_bounds = array<i64: 2000, 128>}, {transform_indices = @transform_4, window_bounds = array<i64: 2000, 128>}]} {
    %get3A = arith.constant 0 : index
    %get3A_0 = arith.constant 0 : index
    %get3A_1 = vector.load %arg1[%get3A, %get3A_0] : memref<2000x128xf32, #tpu.memory_space<vmem>>, vector<2000x128xf32>
    %get3A_2 = arith.constant 0 : index
    %get3A_3 = arith.constant 0 : index
    %get3A_4 = vector.load %arg2[%get3A_2, %get3A_3] : memref<128x128xf32, #tpu.memory_space<vmem>>, vector<128x128xf32>
    %dot_general3A = arith.constant dense<0.000000e+00> : vector<2000x128xf32>
    %dot_general3A_5 = tpu.matmul %get3A_1, %get3A_4, %dot_general3A {dimension_numbers = #tpu.dot_dimension_numbers<[1], [0], [0], [1], [0, 0, 1, 1], [], []>, transpose_lhs_hint = false} : vector<2000x128xf32>, vector<128x128xf32>, vector<2000x128xf32> -> vector<2000x128xf32>
    %swap3A = arith.constant 0 : index
    %swap3A_6 = arith.constant 0 : index
    %swap3A_7 = vector.load %arg4[%swap3A, %swap3A_6] : memref<2000x128xf32, #tpu.memory_space<vmem>>, vector<2000x128xf32>
    tpu.vector_store %arg4[%swap3A, %swap3A_6], %dot_general3A_5 {strides = array<i32>} : memref<2000x128xf32, #tpu.memory_space<vmem>>, vector<2000x128xf32>,
    %get3A_8 = arith.constant 0 : index
    %get3A_9 = arith.constant 0 : index
    %get3A_10 = vector.load %arg3[%get3A_8, %get3A_9] : memref<128x128xf32, #tpu.memory_space<vmem>>, vector<128x128xf32>
    %dot_general3A_11 = arith.constant dense<0.000000e+00> : vector<2000x128xf32>
    %dot_general3A_12 = tpu.matmul %get3A_1, %get3A_10, %dot_general3A_11 {dimension_numbers = #tpu.dot_dimension_numbers<[1], [0], [0], [1], [0, 0, 1, 1], [], []>, transpose_lhs_hint = false} : vector<2000x128xf32>, vector<128x128xf32>, vector<2000x128xf32> -> vector<2000x128xf32>
    %swap3A_13 = arith.constant 0 : index
    %swap3A_14 = arith.constant 0 : index
    %swap3A_15 = vector.load %arg5[%swap3A_13, %swap3A_14] : memref<2000x128xf32, #tpu.memory_space<vmem>>, vector<2000x128xf32>
    tpu.vector_store %arg5[%swap3A_13, %swap3A_14], %dot_general3A_12 {strides = array<i32>} : memref<2000x128xf32, #tpu.memory_space<vmem>>, vector<2000x128xf32>,
    return
  }
  func.func @transform_0(%arg0: i32) -> (i32, i32) {
    %c0_i32 = arith.constant 0 : i32
    %c0_i32_0 = arith.constant 0 : i32
    return %arg0, %c0_i32 : i32, i32
  }
  func.func @transform_1(%arg0: i32) -> (i32, i32) {
    %c0_i32 = arith.constant 0 : i32
    %c0_i32_0 = arith.constant 0 : i32
    %c0_i32_1 = arith.constant 0 : i32
    return %c0_i32, %c0_i32_0 : i32, i32
  }
  func.func @transform_2(%arg0: i32) -> (i32, i32) {
    %c0_i32 = arith.constant 0 : i32
    %c0_i32_0 = arith.constant 0 : i32
    %c0_i32_1 = arith.constant 0 : i32
    return %c0_i32, %c0_i32_0 : i32, i32
  }
  func.func @transform_3(%arg0: i32) -> (i32, i32) {
    %c0_i32 = arith.constant 0 : i32
    %c0_i32_0 = arith.constant 0 : i32
    return %arg0, %c0_i32 : i32, i32
  }
  func.func @transform_4(%arg0: i32) -> (i32, i32) {
    %c0_i32 = arith.constant 0 : i32
    %c0_i32_0 = arith.constant 0 : i32
    return %arg0, %c0_i32 : i32, i32
  }
}

</mosaic_0001>

<sc_bundles>
// kernel: kernel.4.cloned.1.call-start
scs
__scs_entry_jumppad:
0x0: {  	(pc) =	sbr.rel $0x88, $3  }
0x1: {  	(tag) =	ssettag $0x0;
	lr =	simm.s32 $0x1  }
0x2: {  	[smem:$0x3F9D] =	sst lr;
	_ =	strace $0xD0000000  }
0x3: {  	_ = 	snop  }
0x4: {  	_ = 	snop  }
0x5: {  	_ = 	snop  }
0x6: {  	_ = 	snop  }
0x7: {  	_ = 	snop  }
__scs_overlays_trampoline_lowered:
0x8: {  	[smem:$0x3FAC] =	sst s0  }
0x9: {  	[smem:$0x3FAD] =	sst s1  }
0xa: {  	[smem:$0x3FAE] =	sst s2  }
0xb: {  	[smem:$0x3FAF] =	sst s3  }
0xc: {  	[smem:$0x3FB0] =	sst s4  }
0xd: {  	[smem:$0x3FB1] =	sst s5  }
0xe: {  	[smem:$0x3FB2] =	sst s6  }
0xf: {  	[smem:$0x3FB3] =	sst s7  }
0x10: {  	[smem:$0x3FB4] =	sst s8  }
0x11: {  	[smem:$0x3FB5] =	sst s9;
	s0 =	simm.s32 @!p0 $0x0  }
0x12: {  	s1 =	sld [smem:$0x3F9B];
	s0 =	simm.s32 @p0 $0x1  }
0x13: {  	[smem:$0x3FB6] =	sst s0;
	s0 =	simm.s32 @!p1 $0x0  }
0x14: {  	s2 =	sld [smem:$0x3F9A];
	s0 =	simm.s32 @p1 $0x1  }
0x15: {  	[smem:$0x3FB7] =	sst s0;
	s0 =	simm.s32 @!p2 $0x0  }
0x16: {  	s3 =	sld [smem:$0x3FDB];
	s0 =	simm.s32 @p2 $0x1  }
0x17: {  	s4 =	simm.s32 $0x1BF5;
	[smem:$0x3FB9] =	sst s0  }
0x18: {  	s0 =	sld [smem:$0x3F9C];
	_ =	swait.ge [sflag:s4], $0x0  }
0x19: {  	s7 =	sld [smem:$0x3F9D]  }
0x1a: {  	s8 =	sadd.s32 $0xFFFFE003, lr  }
0x1b: {  	s9 =	sadd.s32 $0xFFFFFEF7, lr;
	s5 =	simm.s32 $0xFFFFFFFF;
	p2 =	slt.u32 s8, $0xFFFFF086  }
0x1c: {  	p1 =	slt.u32 s9, $0xF7A;
	s5 =	simm.s32 @!p2 $0x0  }
0x1d: {  	s5 =	simm.s32 @p1 $0x1;
	p0 =	seq.s32 s7, s2  }
0x1e: {  	s7 =	smul.u32 @!p0 $0xF7A, s2;
	p2 =	seq.s32 @!p0 s5, $0x0  }
0x1f: {  	s9 =	smul.u32 $0xF7A, s1;
	s8 =	simm.s32 @!p0 $0x1BF5;
	p2 =	por !p2, p0  }
0x20: {  	[sflag:s8] =	ssyncset.s32 @!p0 $0xFFFFF086;
	s6 =	sadd.s32 @!p0 s3, s7;
	s7 =	simm.s32 @!p0 $0x108  }
0x21: {  	s3 =	sadd.s32 s3, s9;
	s6 =	sadd.s32 @!p0 $0x88, s6;
	s7 =	simm.s32 @p2 $0x1082  }
0x22: {  	[simem:s7], [sflag:s8] =	dma.local @!p0 [hbm:s6], $0xF7A  }
0x23: {  	s9 =	sor.u32 $0xD0000000, s2;
	s6 =	simm.s32 $0x108;
	_ =	swait.ge @!p0 [sflag:s8], $0x0  }
0x24: {  	s3 =	sadd.s32 $0x88, s3;
	s6 =	simm.s32 @!p1 $0x1082;
	[sflag:s4] =	ssyncset.s32 $0xFFFFF086  }
0x25: {  	[simem:s6], [sflag:s4] =	dma.local [hbm:s3], $0xF7A  }
0x26: {  	[smem:$0x3F9D] =	sst s1;
	(tag) =	ssettag s2;
	_ =	strace s9  }
0x27: {  	s1 =	sld [smem:$0x3FAD]  }
0x28: {  	s2 =	sld [smem:$0x3FAE]  }
0x29: {  	s4 =	sld [smem:$0x3FB0]  }
0x2a: {  	p0 =	seq.s32 s5, $0x0;
	s5 =	sld [smem:$0x3FB1]  }
0x2b: {  	s6 =	sld [smem:$0x3FB2]  }
0x2c: {  	s7 =	sld [smem:$0x3FB3]  }
0x2d: {  	s3 =	simm.s32 $0x108;
	s8 =	sld [smem:$0x3FB4]  }
0x2e: {  	s3 =	simm.s32 @!p0 $0x1082;
	s9 =	sld [smem:$0x3FB5]  }
0x2f: {  	lr =	sadd.s32 s0, s3;
	s0 =	sld [smem:$0x3FAC]  }
0x30: {  	s3 =	sld [smem:$0x3FAF]  }
0x31: {  	[smem:$0x3FB8] =	sst s10  }
0x32: {  	s10 =	sld [smem:$0x3FB6];
	_ =	sdelay $0x3  }
0x33: {  	p0 =	seq.s32 s10, $0x1;
	s10 =	sld [smem:$0x3FB8];
	_ =	sdelay $0x3  }
0x34: {  	[smem:$0x3FB8] =	sst s10  }
0x35: {  	s10 =	sld [smem:$0x3FB7];
	_ =	sdelay $0x3  }
0x36: {  	p1 =	seq.s32 s10, $0x1;
	s10 =	sld [smem:$0x3FB8];
	_ =	sdelay $0x3  }
0x37: {  	[smem:$0x3FB8] =	sst s10  }
0x38: {  	s10 =	sld [smem:$0x3FB9]  }
0x39: {  	_ = 	snop;
	(pc) =	sbr.ind lr, $3  }
0x3a: {  	_ = 	snop  }
0x3b: {  	_ = 	snop  }
0x3c: {  	p2 =	seq.s32 s10, $0x1;
	s10 =	sld [smem:$0x3FB8]  }
0x3d: {  	_ =	shalt  }
0x3e: {  	_ =	shalt  }
0x3f: {  	_ =	shalt  }
0x40: {  	_ =	shalt  }
0x41: {  	_ =	shalt  }
0x42: {  	_ =	shalt  }
0x43: {  	_ =	shalt  }
0x44: {  	_ =	shalt  }
0x45: {  	_ =	shalt  }
0x46: {  	_ =	shalt  }
0x47: {  	_ =	shalt  }
0x48: {  	_ =	shalt  }
0x49: {  	_ =	shalt  }
0x4a: {  	_ =	shalt  }
0x4b: {  	_ =	shalt  }
0x4c: {  	_ =	shalt  }
0x4d: {  	_ =	shalt  }
0x4e: {  	_ =	shalt  }
0x4f: {  	_ =	shalt  }
0x50: {  	_ =	shalt  }
0x51: {  	_ =	shalt  }
0x52: {  	_ =	shalt  }
0x53: {  	_ =	shalt  }
0x54: {  	_ =	shalt  }
0x55: {  	_ =	shalt  }
0x56: {  	_ =	shalt  }
0x57: {  	_ =	shalt  }
0x58: {  	_ =	shalt  }
0x59: {  	_ =	shalt  }
0x5a: {  	_ =	shalt  }
0x5b: {  	_ =	shalt  }
0x5c: {  	_ =	shalt  }
0x5d: {  	_ =	shalt  }
0x5e: {  	_ =	shalt  }
0x5f: {  	_ =	shalt  }
0x60: {  	_ =	shalt  }
0x61: {  	_ =	shalt  }
0x62: {  	_ =	shalt  }
0x63: {  	_ =	shalt  }
0x64: {  	_ =	shalt  }
0x65: {  	_ =	shalt  }
0x66: {  	_ =	shalt  }
0x67: {  	_ =	shalt  }
0x68: {  	_ =	shalt  }
0x69: {  	_ =	shalt  }
0x6a: {  	_ =	shalt  }
0x6b: {  	_ =	shalt  }
0x6c: {  	_ =	shalt  }
0x6d: {  	_ =	shalt  }
0x6e: {  	_ =	shalt  }
0x6f: {  	_ =	shalt  }
0x70: {  	_ =	shalt  }
0x71: {  	_ =	shalt  }
0x72: {  	_ =	shalt  }
0x73: {  	_ =	shalt  }
0x74: {  	_ =	shalt  }
0x75: {  	_ =	shalt  }
0x76: {  	_ =	shalt  }
0x77: {  	_ =	shalt  }
0x78: {  	_ =	shalt  }
0x79: {  	_ =	shalt  }
0x7a: {  	_ =	shalt  }
0x7b: {  	_ =	shalt  }
0x7c: {  	_ =	shalt  }
0x7d: {  	_ =	shalt  }
0x7e: {  	_ =	shalt  }
0x7f: {  	_ =	shalt  }
0x80: {  	_ =	shalt  }
0x81: {  	_ =	shalt  }
0x82: {  	_ =	shalt  }
0x83: {  	_ =	shalt  }
0x84: {  	_ =	shalt  }
0x85: {  	_ =	shalt  }
0x86: {  	_ =	shalt  }
0x87: {  	_ =	shalt  }
.Lfunc_end0:
.L_simem_size_0:
called_computation_lowered:
.L_overlay_start_0:
0x88: {  	s2 =	sld [smem:$0x3FD9]  }
0x89: {  	s3 =	sld [smem:$0x3FFE];
	_ =	sdelay $0x1  }
0x8a: {  	s1 =	srdreg.scid  }
0x8b: {  	s0 =	sand.u32 $0x1, s1  }
0x8c: {  	s17 =	sshll.u32 s0, $0xA;
	s2 =	sadd.s32 s3, s2  }
0x8d: {  	s2 =	sadd.s32 s2, s17  }
0x8e: {  	[smem:$0x3FC4] =	sst s2  }
0x8f: {  	_ = 	snop  }
0x90: {  	s2 =	sld [smem:$0x3FC6]  }
0x91: {  	s18 =	sld [smem:$0x3FD0];
	(tm) =	ssettm $0x1  }
0x92: {  	s4 =	sld [smem:$0x3FFB];
	_ =	sdelay $0x3  }
0x93: {  	_ =	strace s4  }
0x94: {  	s4 =	sld [smem:$0x3FFC];
	_ =	sdelay $0x3  }
0x95: {  	_ =	strace s4  }
0x96: {  	s4 =	sld [smem:$0x3FFD];
	_ =	sdelay $0x3  }
0x97: {  	_ =	strace s4  }
0x98: {  	_ =	strace $0x8FFFFFFF  }
0x99: {  	s19 =	sld [smem:$0x3FDB];
	_ =	sdelay $0x1  }
0x9a: {  	s5 =	simm.s32 $_scs_section_size  }
0x9b: {  	s6 =	simm.s32 $_size__tile_overlayer_lowered;
	s7 =	simm.s32 $_tile_overlayer_lowered  }
0x9c: {  	s22 =	simm.s32 $0x1BFF;
	s21 =	sshll.u32 s7, $0x1;
	s4 =	sadd.s32 s5, s19  }
0x9d: {  	s8 =	simm.s32 $0x0;
	s20 =	sshll.u32 s6, $0x1;
	s6 =	sadd.s32 s21, s4  }
0x9e: {  	[timem:s8], [sflag:s22] =	dma.local [hbm:s6], s20  }
0x9f: {  	_ =	swait.ge [sflag:s22], s20  }
0xa0: {  	s5 =	ssub.s32 $0x0, s20;
	[sflag:s22] =	ssyncset.done $0x0  }
0xa1: {  	[sflag:s22] =	ssyncadd.s32 s5;
	_ =	sdelay $0x1  }
0xa2: {  	s23 =	simm.s32 $0x1B8B  }
0xa3: {  	_ =	swait.ge [sflag:s23], $0x1  }
0xa4: {  	[sflag:s23] =	ssyncset.done $0x0  }
0xa5: {  	s25 =	simm.s32 $0x1B8E;
	s24 =	sld [smem:$0x3FFE];
	[sflag:s23] =	ssyncadd.s32 $0xFFFFFFFF  }
0xa6: {  	s26 =	simm.s32 $execute0_lowered;
	[smem:$0x3FD2] =	sst s25  }
0xa7: {  	s6 =	sshll.u32 s26, $0x1;
	_ =	strace $0x80000046;
	[dreg:$0x1] =	wrdreg $0xFFFFFFFF  }
0xa8: {  	s28 =	simm.s32 $_size_execute0_lowered;
	s4 =	sadd.s32 s4, s6;
	[dreg:$0x0] =	wrdreg $0x0  }
0xa9: {  	s6 =	sshll.u32 s28, $0x1;
	[dreg:$0x2] =	wrdreg s4  }
0xaa: {  	[dreg:$0x3] =	wrdreg s6  }
0xab: {  	[dreg:$0x4] =	wrdreg $0xC0  }
0xac: {  	_ =	task [dreg:s8], $0x5FFFF  }
0xad: {  	[dreg:$0x1] =	wrdreg $0xFFFFFFFF  }
0xae: {  	[dreg:$0x0] =	wrdreg $0x60  }
0xaf: {  	[dreg:$0x2] =	wrdreg s18  }
0xb0: {  	[dreg:$0x3] =	wrdreg s24  }
0xb1: {  	[dreg:$0x4] =	wrdreg s2  }
0xb2: {  	[dreg:$0x5] =	wrdreg $0x9  }
0xb3: {  	_ =	task.clear_ibuf [dreg:s8], $0x6FFFF;
	_ =	strace $0x90000046  }
0xb4: {  	s29 =	simm.s32 $0x9;
	_ =	strace $0x80000048  }
0xb5: {  	_ =	swait.ge [sflag:s29], $0x1  }
0xb6: {  	[sflag:s29] =	ssyncadd.s32 $0xFFFFFFFF  }
0xb7: {  	_ =	strace $0x90000048  }
0xb8: {  	_ =	sfence  }
0xb9: {  	s30 =	sld [smem:$0x0];
	_ =	sdelay $0x2  }
0xba: {  	s31 =	sshll.u32 s1, $0xD;
	s1 =	sshrl.u32 s1, $0x2  }
0xbb: {  	s3 =	sand.u32 $0x4000, s31;
	s1 =	sadd.s32 s1, s30  }
0xbc: {  	s0 =	sor.u32 s3, s0;
	s1 =	sshll.u32 s1, $0x11  }
0xbd: {  	s0 =	sor.u32 s1, s0  }
0xbe: {  	s0 =	sadd.s32 $0x8F2B, s0  }
0xbf: {  	[sflag:s0] =	ssyncadd.remote.s32 $0x1  }
0xc0: {  	_ =	sfence.sel $0xFFFF  }
0xc1: {  	[dreg:$0x0] =	wrdreg $0xFFFFFFFF;
	(pc) =	sbr.abs _section_cstart, $3  }
0xc2: {  	[dreg:$0x1] =	wrdreg $0xFFFFFFFF  }
0xc3: {  	_ =	task.clear_ibuf [dreg:s8], $0x2FFFF;
	_ =	strace $0x9FFFFFFF  }
0xc4: {  	(tm) =	ssettm $0x7FFFFFFF  }
0xc5: {  	_ =	shalt  }
tec
execute0_lowered:
.L_overlay_start_1:
0x0: {  	(tag) =	ssettag $0x1  }
0x1: {  	s1 =	rddreg [dreg:$0x0]  }
0x2: {  	s6 =	rddreg [dreg:$0x1];
	s2 =	srdreg.scid  }
0x3: {  	s0 =	stileid.u32;
	s3 =	rddreg [dreg:$0x2];
	s11 =	simm.s32 $0x5400  }
0x4: {  	s12 =	simm.s32 $0xA800;
	s13 =	simm.s32 $0x40;
	s14 =	simm.s32 $0x14880  }
0x5: {  	s15 =	simm.s32 $0x16880;
	s16 =	simm.s32 $0x18880;
	s17 =	simm.s32 $0x1A880  }
0x6: {  	s18 =	simm.s32 $0x1;
	s19 =	simm.s32 $0x2;
	s20 =	simm.s32 $0x3  }
0x7: {  	s21 =	simm.s32 $0x4;
	s22 =	simm.s32 $0x80;
	s23 =	simm.s32 $0x400  }
0x8: {  	s24 =	simm.s32 $0xA880;
	s25 =	simm.s32 $0x0;
	s7 =	sand.u32 $0x1, s2  }
0x9: {  	s4 =	sshll.u32 s0, $0x1;
	s2 =	rddreg [dreg:$0x3];
	s8 =	sshrl.u32 s0, $0x2  }
0xa: {  	s5 =	sor.u32 s7, s4;
	s4 =	simm.s32 $0x0;
	s8 =	smul.u32 $0x50000, s8  }
0xb: {  	s7 =	ssub.s32 $0x2, s7;
	s9 =	sshll.u32 s5, $0x7;
	[smem:$0x7FF] =	sst s4  }
0xc: {  	s10 =	smul.u32 $0xA80, s5;
	s5 =	sadd.s32 $0x2B600, s6;
	s9 =	sand.u32 $0x380, s9  }
0xd: {  	s30 =	sshrl.u32 s7, $0x1;
	_ =	strace $0x80000047;
	s8 =	sor.u32 s8, s9  }
0xe: {  	s31 =	ssub.s32 s7, s30;
	s29 =	sadd.s32 s10, s6;
	s8 =	sshrl.u32 s8, $0x3  }
0xf: {  	s9 =	smax.u32 s31, $0x1;
	s10 =	simm.s32 $0x5;
	s8 =	sadd.s32 s8, s6  }
0x10: {  	s7 =	sadd.s32 $0x16600, s29;
	s6 =	sadd.s32 $0x1600, s29;
	s8 =	sadd.s32 $0x52800, s8  }
.LBB2_1:
0x11: {  	[tilespmem:s4], [sflag:$0x5] =	stream.linear.gather [hbm4b:s6+s4], $0x5080, $0x38;
	[tilespmem:$0x1C880] =	vst v63  }
0x12: {  	_ =	swait.ge [sflag:s10], $0x5080  }
0x13: {  	[sflag:s10] =	ssyncset.done $0x0  }
0x14: {  	[sflag:s10] =	ssyncadd.s32 $0xFFFFAF80  }
0x15: {  	[tilespmem:s11], [sflag:$0x5] =	stream.linear.gather [hbm4b:s7+s4], $0x5080, $0x38;
	[tilespmem:$0x1C880] =	vst v63  }
0x16: {  	_ =	swait.ge [sflag:s10], $0x5080  }
0x17: {  	[sflag:s10] =	ssyncset.done $0x0  }
0x18: {  	[sflag:s10] =	ssyncadd.s32 $0xFFFFAF80  }
0x19: {  	[tilespmem:s12], [sflag:$0x5] =	stream.linear.gather [hbm4b:s3+s4], $0x80, $0x38;
	[tilespmem:$0x1C880] =	vst v63  }
0x1a: {  	_ =	swait.ge [sflag:s10], $0x80  }
0x1b: {  	[sflag:s10] =	ssyncset.done $0x0  }
0x1c: {  	[sflag:s10] =	ssyncadd.s32 $0xFFFFFF80  }
0x1d: {  	[tilespmem:s14], [sflag:$0x1] =	stream.indirect.gather [hbm4b:s1+s13], $0x80, s4, s13, $0xb8;
	[tilespmem:$0x1C880] =	vst v63  }
0x1e: {  	s26 =	simm.s32 $0x0  }
0x1f: {  	[tilespmem:s15], [sflag:$0x2] =	stream.indirect.gather [hbm4b:s5+s13], $0x80, s11, s13, $0xb8;
	[tilespmem:$0x1C880] =	vst v63  }
.LBB2_2:
0x20: {  	s28 =	sshllo.u32 s26, $0x1  }
0x21: {  	s29 =	sshll.u32 s28, $0x7  }
0x22: {  	[tilespmem:s16], [sflag:$0x3] =	stream.indirect.gather [hbm4b:s1+s13], $0x80, s29, s13, $0xb8;
	[tilespmem:$0x1C880] =	vst v63  }
0x23: {  	s29 =	sadd.s32 $0x5400, s29  }
0x24: {  	[tilespmem:s17], [sflag:$0x4] =	stream.indirect.gather [hbm4b:s5+s13], $0x80, s29, s13, $0xb8;
	[tilespmem:$0x1C880] =	vst v63  }
0x25: {  	_ =	swait.ge [sflag:s18], $0x2000  }
0x26: {  	[sflag:s18] =	ssyncset.done $0x0  }
0x27: {  	[sflag:s18] =	ssyncadd.s32 $0xFFFFE000  }
0x28: {  	_ =	swait.ge [sflag:s19], $0x2000  }
0x29: {  	[sflag:s19] =	ssyncset.done $0x0  }
0x2a: {  	[sflag:s19] =	ssyncadd.s32 $0xFFFFE000  }
0x2b: {  	v0 =	vld [tilespmem:$0x14880]  }
0x2c: {  	v1 =	vld [tilespmem:$0x16880]  }
0x2d: {  	v2 =	vld [tilespmem:$0x14890]  }
0x2e: {  	v3 =	vld [tilespmem:$0x16890]  }
0x2f: {  	v4 =	vld [tilespmem:$0x148A0]  }
0x30: {  	v5 =	vld [tilespmem:$0x168A0]  }
0x31: {  	v6 =	vld [tilespmem:$0x148B0]  }
0x32: {  	v7 =	vld [tilespmem:$0x168B0]  }
0x33: {  	v8 =	vld [tilespmem:$0x148C0]  }
0x34: {  	v9 =	vld [tilespmem:$0x168C0]  }
0x35: {  	v10 =	vld [tilespmem:$0x148D0]  }
0x36: {  	v11 =	vld [tilespmem:$0x168D0]  }
0x37: {  	v12 =	vld [tilespmem:$0x148E0]  }
0x38: {  	v13 =	vld [tilespmem:$0x168E0]  }
0x39: {  	v14 =	vld [tilespmem:$0x148F0]  }
0x3a: {  	s30 =	simm.s32 $0x0;
	v15 =	vld [tilespmem:$0x168F0]  }
0x3b: {  	v16 =	vld [tilespmem:s30+$0x14970]  }
0x3c: {  	v17 =	vld [tilespmem:s30+$0x16970]  }
0x3d: {  	v18 =	vld [tilespmem:s30+$0x14900]  }
0x3e: {  	v19 =	vld [tilespmem:s30+$0x16900]  }
0x3f: {  	v20 =	vld [tilespmem:s30+$0x14910]  }
0x40: {  	v21 =	vld [tilespmem:s30+$0x16910]  }
0x41: {  	v22 =	vld [tilespmem:s30+$0x14920]  }
0x42: {  	v23 =	vld [tilespmem:s30+$0x16920]  }
0x43: {  	v24 =	vadd.f32 v1, v0;
	v1 =	vld [tilespmem:s30+$0x14930]  }
0x44: {  	v25 =	vadd.f32 v3, v2;
	v4 =	vadd.f32 v5, v4;
	v5 =	vld [tilespmem:s30+$0x16930]  }
0x45: {  	v27 =	vld [tilespmem:s30+$0x14940];
	v26 =	vadd.f32 v7, v6;
	v3 =	vadd.f32 v9, v8  }
0x46: {  	v2 =	vadd.f32 v11, v10;
	v0 =	vadd.f32 v13, v12;
	v13 =	vld [tilespmem:s30+$0x16940]  }
0x47: {  	v8 =	vadd.f32 v15, v14;
	v9 =	vadd.f32 v17, v16;
	v7 =	vld [tilespmem:s30+$0x14950]  }
0x48: {  	v11 =	vadd.f32 v19, v18;
	v14 =	vadd.f32 v21, v20;
	v10 =	vld [tilespmem:s30+$0x16950]  }
0x49: {  	v15 =	vadd.f32 v23, v22;
	v6 =	vld [tilespmem:s30+$0x14960];
	v5 =	vadd.f32 v5, v1  }
0x4a: {  	s29 =	simm.s32 $0x80;
	v12 =	vmax.f32 v24, v11;
	v11 =	vld [tilespmem:s30+$0x16960];
	v1 =	vmax.f32 v8, v9;
	v9 =	vmax.f32 v25, v14  }
0x4b: {  	s30 =	simm.s32 $0x400;
	v8 =	vmax.f32 v4, v15;
	v4 =	vld [tilespmem:s29+$0x14970];
	v13 =	vadd.f32 v13, v27;
	v5 =	vmax.f32 v26, v5  }
.LBB2_3:
0x4c: {  	p0 =	sne.s32 s30, $0x3C00;
	v14 =	vld [tilespmem:s29+$0x16970]  }
0x4d: {  	v15 =	vld [tilespmem:s29+$0x14900];
	v3 =	vmax.f32 v3, v13;
	v7 =	vadd.f32 v10, v7  }
0x4e: {  	v10 =	vld [tilespmem:s29+$0x16900]  }
0x4f: {  	v13 =	vld [tilespmem:s29+$0x14910];
	v2 =	vmax.f32 v2, v7;
	v6 =	vadd.f32 v11, v6  }
0x50: {  	v7 =	vld [tilespmem:s29+$0x16910]  }
0x51: {  	v11 =	vld [tilespmem:s29+$0x14920];
	v4 =	vadd.f32 v14, v4;
	v0 =	vmax.f32 v0, v6  }
0x52: {  	v6 =	vld [tilespmem:s29+$0x16920]  }
0x53: {  	v10 =	vadd.f32 v10, v15;
	v14 =	vld [tilespmem:s29+$0x14930];
	v1 =	vmax.f32 v1, v4  }
0x54: {  	v4 =	vld [tilespmem:s29+$0x16930]  }
0x55: {  	v12 =	vmax.f32 v12, v10;
	v7 =	vadd.f32 v7, v13;
	v13 =	vld [tilespmem:s29+$0x14940]  }
0x56: {  	v15 =	vld [tilespmem:s29+$0x16940]  }
.Ltmp0:
0x57: {  	v9 =	vmax.f32 v9, v7;
	v6 =	vadd.f32 v6, v11;
	v7 =	vld [tilespmem:s29+$0x14950];
	(pc) =	sbr.rel @p0 .LBB2_3-.Ltmp0, $4  }
0x58: {  	v10 =	vld [tilespmem:s29+$0x16950]  }
0x59: {  	v8 =	vmax.f32 v8, v6;
	v14 =	vadd.f32 v4, v14;
	v6 =	vld [tilespmem:s29+$0x14960]  }
0x5a: {  	v11 =	vld [tilespmem:s29+$0x16960];
	s29 =	sshra.s32 s30, $0x2  }
0x5b: {  	s30 =	sadd.s32 $0x200, s30;
	v4 =	vld [tilespmem:s29+$0x14970];
	v5 =	vmax.f32 v5, v14;
	v13 =	vadd.f32 v15, v13  }
0x5c: {  	v14 =	vld [tilespmem:s29+$0x16970]  }
0x5d: {  	v15 =	vld [tilespmem:s29+$0x14900]  }
0x5e: {  	v16 =	vld [tilespmem:s29+$0x16900]  }
0x5f: {  	v17 =	vld [tilespmem:s29+$0x14910]  }
0x60: {  	v18 =	vld [tilespmem:s29+$0x16910]  }
0x61: {  	v19 =	vld [tilespmem:s29+$0x14920]  }
0x62: {  	v20 =	vld [tilespmem:s29+$0x16920]  }
0x63: {  	v21 =	vld [tilespmem:s29+$0x14930]  }
0x64: {  	v22 =	vld [tilespmem:$0xA800]  }
0x65: {  	v23 =	vld [tilespmem:s29+$0x16930]  }
0x66: {  	v51 =	vld [tilespmem:s29+$0x14940];
	v15 =	vadd.f32 v16, v15  }
0x67: {  	v24 =	vld [tilespmem:s29+$0x16940]  }
0x68: {  	v25 =	vld [tilespmem:s29+$0x16950];
	v12 =	vmax.f32 v12, v15  }
0x69: {  	v52 =	vld [tilespmem:s29+$0x14960];
	v12 =	vadd.f32 v22, v12  }
0x6a: {  	s30 =	sshll.u32 s26, $0x9;
	v26 =	vld [tilespmem:s29+$0x16960]  }
0x6b: {  	v15 =	vld [tilespmem:s29+$0x14950];
	s29 =	sand.u32 $0x3FFFFE00, s30;
	v12 =	vmax.f32 v12, $0.0e+00  }
0x6c: {  	[tilespmem:s29+$0xA880] =	vst v12  }
0x6d: {  	v12 =	vld [tilespmem:$0xA810];
	_ =	sdelay $0x1  }
0x6e: {  	v17 =	vadd.f32 v18, v17;
	_ =	sdelay $0x1  }
0x6f: {  	v9 =	vmax.f32 v9, v17  }
0x70: {  	v9 =	vadd.f32 v12, v9;
	_ =	sdelay $0x1  }
0x71: {  	v9 =	vmax.f32 v9, $0.0e+00  }
0x72: {  	[tilespmem:s29+$0xA890] =	vst v9  }
0x73: {  	v9 =	vld [tilespmem:$0xA820];
	_ =	sdelay $0x1  }
0x74: {  	v12 =	vadd.f32 v20, v19;
	_ =	sdelay $0x1  }
0x75: {  	v8 =	vmax.f32 v8, v12  }
0x76: {  	v8 =	vadd.f32 v9, v8;
	_ =	sdelay $0x1  }
0x77: {  	v8 =	vmax.f32 v8, $0.0e+00  }
0x78: {  	[tilespmem:s29+$0xA8A0] =	vst v8  }
0x79: {  	v8 =	vld [tilespmem:$0xA830];
	_ =	sdelay $0x1  }
0x7a: {  	v9 =	vadd.f32 v23, v21;
	_ =	sdelay $0x1  }
0x7b: {  	v5 =	vmax.f32 v5, v9  }
0x7c: {  	v5 =	vadd.f32 v8, v5;
	_ =	sdelay $0x1  }
0x7d: {  	v5 =	vmax.f32 v5, $0.0e+00  }
0x7e: {  	[tilespmem:s29+$0xA8B0] =	vst v5  }
0x7f: {  	v5 =	vld [tilespmem:$0xA840];
	_ =	sdelay $0x1  }
0x80: {  	v8 =	vadd.f32 v24, v51  }
0x81: {  	v3 =	vmax.f32 v3, v13  }
0x82: {  	v3 =	vmax.f32 v3, v8  }
0x83: {  	v3 =	vadd.f32 v5, v3;
	_ =	sdelay $0x1  }
0x84: {  	v3 =	vmax.f32 v3, $0.0e+00  }
0x85: {  	[tilespmem:s29+$0xA8C0] =	vst v3  }
0x86: {  	v3 =	vld [tilespmem:$0xA850]  }
0x87: {  	v5 =	vadd.f32 v10, v7  }
0x88: {  	v7 =	vadd.f32 v25, v15  }
0x89: {  	v2 =	vmax.f32 v2, v5  }
0x8a: {  	v2 =	vmax.f32 v2, v7  }
0x8b: {  	v2 =	vadd.f32 v3, v2;
	_ =	sdelay $0x1  }
0x8c: {  	v2 =	vmax.f32 v2, $0.0e+00  }
0x8d: {  	[tilespmem:s29+$0xA8D0] =	vst v2  }
0x8e: {  	v2 =	vld [tilespmem:$0xA860]  }
0x8f: {  	v3 =	vadd.f32 v11, v6  }
0x90: {  	v5 =	vadd.f32 v26, v52  }
0x91: {  	v0 =	vmax.f32 v0, v3  }
0x92: {  	v0 =	vmax.f32 v0, v5  }
0x93: {  	v0 =	vadd.f32 v2, v0;
	_ =	sdelay $0x1  }
0x94: {  	v0 =	vmax.f32 v0, $0.0e+00  }
0x95: {  	[tilespmem:s29+$0xA8E0] =	vst v0  }
0x96: {  	v0 =	vld [tilespmem:$0xA870];
	_ =	sdelay $0x1  }
0x97: {  	v2 =	vadd.f32 v14, v4;
	_ =	sdelay $0x1  }
0x98: {  	v1 =	vmax.f32 v1, v2  }
0x99: {  	v0 =	vadd.f32 v0, v1;
	_ =	sdelay $0x1  }
0x9a: {  	v0 =	vmax.f32 v0, $0.0e+00  }
0x9b: {  	[tilespmem:s29+$0xA8F0] =	vst v0  }
0x9c: {  	v0 =	vld [tilespmem:$0x15880]  }
0x9d: {  	v1 =	vld [tilespmem:$0x17880]  }
0x9e: {  	v2 =	vld [tilespmem:$0x15890]  }
0x9f: {  	v3 =	vld [tilespmem:$0x17890]  }
0xa0: {  	v4 =	vld [tilespmem:$0x158A0]  }
0xa1: {  	v5 =	vld [tilespmem:$0x178A0]  }
0xa2: {  	v6 =	vld [tilespmem:$0x158B0]  }
0xa3: {  	v7 =	vld [tilespmem:$0x178B0]  }
0xa4: {  	v8 =	vld [tilespmem:$0x158C0]  }
0xa5: {  	v9 =	vld [tilespmem:$0x178C0]  }
0xa6: {  	v10 =	vld [tilespmem:$0x158D0]  }
0xa7: {  	v11 =	vld [tilespmem:$0x178D0]  }
0xa8: {  	v12 =	vld [tilespmem:$0x158E0]  }
0xa9: {  	v13 =	vld [tilespmem:$0x178E0]  }
0xaa: {  	v14 =	vld [tilespmem:$0x158F0]  }
0xab: {  	s31 =	simm.s32 $0x0;
	v15 =	vld [tilespmem:$0x178F0]  }
0xac: {  	v53 =	vld [tilespmem:s31+$0x15970]  }
0xad: {  	v54 =	vld [tilespmem:s31+$0x17970]  }
0xae: {  	v55 =	vld [tilespmem:s31+$0x15900]  }
0xaf: {  	v56 =	vld [tilespmem:s31+$0x17900]  }
0xb0: {  	v57 =	vld [tilespmem:s31+$0x15910]  }
0xb1: {  	v58 =	vld [tilespmem:s31+$0x17910]  }
0xb2: {  	v59 =	vld [tilespmem:s31+$0x15920]  }
0xb3: {  	v60 =	vld [tilespmem:s31+$0x17920]  }
0xb4: {  	v61 =	vadd.f32 v1, v0;
	v1 =	vld [tilespmem:s31+$0x15930]  }
0xb5: {  	v62 =	vadd.f32 v3, v2;
	v4 =	vadd.f32 v5, v4;
	v5 =	vld [tilespmem:s31+$0x17930]  }
0xb6: {  	v27 =	vld [tilespmem:s31+$0x15940];
	v63 =	vadd.f32 v7, v6;
	v3 =	vadd.f32 v9, v8  }
0xb7: {  	v2 =	vadd.f32 v11, v10;
	v0 =	vadd.f32 v13, v12;
	v13 =	vld [tilespmem:s31+$0x17940]  }
0xb8: {  	v8 =	vadd.f32 v15, v14;
	v9 =	vadd.f32 v54, v53;
	v7 =	vld [tilespmem:s31+$0x15950]  }
0xb9: {  	v11 =	vadd.f32 v56, v55;
	v14 =	vadd.f32 v58, v57;
	v10 =	vld [tilespmem:s31+$0x17950]  }
0xba: {  	v15 =	vadd.f32 v60, v59;
	v6 =	vld [tilespmem:s31+$0x15960];
	v5 =	vadd.f32 v5, v1  }
0xbb: {  	s30 =	simm.s32 $0x80;
	v12 =	vmax.f32 v61, v11;
	v11 =	vld [tilespmem:s31+$0x17960];
	v1 =	vmax.f32 v8, v9;
	v9 =	vmax.f32 v62, v14  }
0xbc: {  	s31 =	simm.s32 $0x400;
	v8 =	vmax.f32 v4, v15;
	v4 =	vld [tilespmem:s30+$0x15970];
	v13 =	vadd.f32 v13, v27;
	v5 =	vmax.f32 v63, v5  }
.LBB2_5:
0xbd: {  	p0 =	sne.s32 s31, $0x3C00;
	v14 =	vld [tilespmem:s30+$0x17970]  }
0xbe: {  	v15 =	vld [tilespmem:s30+$0x15900];
	v3 =	vmax.f32 v3, v13;
	v7 =	vadd.f32 v10, v7  }
0xbf: {  	v10 =	vld [tilespmem:s30+$0x17900]  }
0xc0: {  	v13 =	vld [tilespmem:s30+$0x15910];
	v2 =	vmax.f32 v2, v7;
	v6 =	vadd.f32 v11, v6  }
0xc1: {  	v7 =	vld [tilespmem:s30+$0x17910]  }
0xc2: {  	v11 =	vld [tilespmem:s30+$0x15920];
	v4 =	vadd.f32 v14, v4;
	v0 =	vmax.f32 v0, v6  }
0xc3: {  	v6 =	vld [tilespmem:s30+$0x17920]  }
0xc4: {  	v10 =	vadd.f32 v10, v15;
	v14 =	vld [tilespmem:s30+$0x15930];
	v1 =	vmax.f32 v1, v4  }
0xc5: {  	v4 =	vld [tilespmem:s30+$0x17930]  }
0xc6: {  	v12 =	vmax.f32 v12, v10;
	v7 =	vadd.f32 v7, v13;
	v13 =	vld [tilespmem:s30+$0x15940]  }
0xc7: {  	v15 =	vld [tilespmem:s30+$0x17940]  }
.Ltmp1:
0xc8: {  	v9 =	vmax.f32 v9, v7;
	v6 =	vadd.f32 v6, v11;
	v7 =	vld [tilespmem:s30+$0x15950];
	(pc) =	sbr.rel @p0 .LBB2_5-.Ltmp1, $4  }
0xc9: {  	v10 =	vld [tilespmem:s30+$0x17950]  }
0xca: {  	v8 =	vmax.f32 v8, v6;
	v14 =	vadd.f32 v4, v14;
	v6 =	vld [tilespmem:s30+$0x15960]  }
0xcb: {  	v11 =	vld [tilespmem:s30+$0x17960];
	s30 =	sshra.s32 s31, $0x2  }
0xcc: {  	s31 =	sadd.s32 $0x200, s31;
	v4 =	vld [tilespmem:s30+$0x15970];
	v5 =	vmax.f32 v5, v14;
	v13 =	vadd.f32 v15, v13  }
0xcd: {  	v14 =	vld [tilespmem:s30+$0x17970]  }
0xce: {  	v15 =	vld [tilespmem:s30+$0x15900]  }
0xcf: {  	v16 =	vld [tilespmem:s30+$0x17900]  }
0xd0: {  	v17 =	vld [tilespmem:s30+$0x15910]  }
0xd1: {  	v18 =	vld [tilespmem:s30+$0x17910]  }
0xd2: {  	v19 =	vld [tilespmem:s30+$0x15920]  }
0xd3: {  	v20 =	vld [tilespmem:s30+$0x17920]  }
0xd4: {  	v22 =	vld [tilespmem:$0xA800]  }
0xd5: {  	v21 =	vld [tilespmem:s30+$0x15930]  }
0xd6: {  	v23 =	vld [tilespmem:s30+$0x17930];
	v15 =	vadd.f32 v16, v15  }
0xd7: {  	v51 =	vld [tilespmem:s30+$0x15940]  }
0xd8: {  	v24 =	vld [tilespmem:s30+$0x17940];
	v12 =	vmax.f32 v12, v15  }
0xd9: {  	v25 =	vld [tilespmem:s30+$0x17950];
	v12 =	vadd.f32 v22, v12  }
0xda: {  	v52 =	vld [tilespmem:s30+$0x15960]  }
0xdb: {  	v26 =	vld [tilespmem:s30+$0x17960];
	v12 =	vmax.f32 v12, $0.0e+00  }
0xdc: {  	v15 =	vld [tilespmem:s30+$0x15950];
	[tilespmem:s29+$0xA900] =	vst v12  }
0xdd: {  	v12 =	vld [tilespmem:$0xA810];
	_ =	sdelay $0x1  }
0xde: {  	v17 =	vadd.f32 v18, v17;
	_ =	sdelay $0x1  }
0xdf: {  	v9 =	vmax.f32 v9, v17  }
0xe0: {  	v9 =	vadd.f32 v12, v9;
	_ =	sdelay $0x1  }
0xe1: {  	v9 =	vmax.f32 v9, $0.0e+00  }
0xe2: {  	[tilespmem:s29+$0xA910] =	vst v9  }
0xe3: {  	v9 =	vld [tilespmem:$0xA820];
	_ =	sdelay $0x1  }
0xe4: {  	v12 =	vadd.f32 v20, v19;
	_ =	sdelay $0x1  }
0xe5: {  	v8 =	vmax.f32 v8, v12  }
0xe6: {  	v8 =	vadd.f32 v9, v8;
	_ =	sdelay $0x1  }
0xe7: {  	v8 =	vmax.f32 v8, $0.0e+00  }
0xe8: {  	[tilespmem:s29+$0xA920] =	vst v8  }
0xe9: {  	v8 =	vld [tilespmem:$0xA830];
	_ =	sdelay $0x1  }
0xea: {  	v9 =	vadd.f32 v23, v21;
	_ =	sdelay $0x1  }
0xeb: {  	v5 =	vmax.f32 v5, v9  }
0xec: {  	v5 =	vadd.f32 v8, v5;
	_ =	sdelay $0x1  }
0xed: {  	v5 =	vmax.f32 v5, $0.0e+00  }
0xee: {  	[tilespmem:s29+$0xA930] =	vst v5  }
0xef: {  	v5 =	vld [tilespmem:$0xA840];
	_ =	sdelay $0x1  }
0xf0: {  	v8 =	vadd.f32 v24, v51  }
0xf1: {  	v3 =	vmax.f32 v3, v13  }
0xf2: {  	v3 =	vmax.f32 v3, v8  }
0xf3: {  	v3 =	vadd.f32 v5, v3;
	_ =	sdelay $0x1  }
0xf4: {  	v3 =	vmax.f32 v3, $0.0e+00  }
0xf5: {  	[tilespmem:s29+$0xA940] =	vst v3  }
0xf6: {  	v3 =	vld [tilespmem:$0xA850]  }
0xf7: {  	v5 =	vadd.f32 v10, v7  }
0xf8: {  	v7 =	vadd.f32 v25, v15  }
0xf9: {  	v2 =	vmax.f32 v2, v5  }
0xfa: {  	v2 =	vmax.f32 v2, v7  }
0xfb: {  	v2 =	vadd.f32 v3, v2;
	_ =	sdelay $0x1  }
0xfc: {  	v2 =	vmax.f32 v2, $0.0e+00  }
0xfd: {  	[tilespmem:s29+$0xA950] =	vst v2  }
0xfe: {  	v2 =	vld [tilespmem:$0xA860]  }
0xff: {  	v3 =	vadd.f32 v11, v6  }
0x100: {  	v5 =	vadd.f32 v26, v52  }
0x101: {  	v0 =	vmax.f32 v0, v3  }
0x102: {  	v0 =	vmax.f32 v0, v5  }
0x103: {  	v0 =	vadd.f32 v2, v0;
	_ =	sdelay $0x1  }
0x104: {  	v0 =	vmax.f32 v0, $0.0e+00  }
0x105: {  	[tilespmem:s29+$0xA960] =	vst v0  }
0x106: {  	v0 =	vld [tilespmem:$0xA870];
	_ =	sdelay $0x1  }
0x107: {  	v2 =	vadd.f32 v14, v4;
	_ =	sdelay $0x1  }
0x108: {  	v1 =	vmax.f32 v1, v2  }
0x109: {  	v0 =	vadd.f32 v0, v1;
	_ =	sdelay $0x1  }
0x10a: {  	s30 =	sshll.u32 s26, $0x8;
	v0 =	vmax.f32 v0, $0.0e+00  }
0x10b: {  	[tilespmem:s29+$0xA970] =	vst v0;
	s29 =	sadd.s32 $0x100, s30  }
0x10c: {  	[tilespmem:s14], [sflag:$0x1] =	stream.indirect.gather [hbm4b:s1+s13], $0x80, s29, s13, $0xb8;
	[tilespmem:$0x1C880] =	vst v63  }
0x10d: {  	s29 =	sadd.s32 $0x5500, s30  }
0x10e: {  	[tilespmem:s15], [sflag:$0x2] =	stream.indirect.gather [hbm4b:s5+s13], $0x80, s29, s13, $0xb8;
	[tilespmem:$0x1C880] =	vst v63  }
0x10f: {  	_ =	swait.ge [sflag:s20], $0x2000  }
0x110: {  	[sflag:s20] =	ssyncset.done $0x0  }
0x111: {  	[sflag:s20] =	ssyncadd.s32 $0xFFFFE000  }
0x112: {  	_ =	swait.ge [sflag:s21], $0x2000  }
0x113: {  	[sflag:s21] =	ssyncset.done $0x0  }
0x114: {  	[sflag:s21] =	ssyncadd.s32 $0xFFFFE000  }
0x115: {  	v0 =	vld [tilespmem:$0x18880]  }
0x116: {  	v1 =	vld [tilespmem:$0x1A880]  }
0x117: {  	v2 =	vld [tilespmem:$0x18890]  }
0x118: {  	v3 =	vld [tilespmem:$0x1A890]  }
0x119: {  	v4 =	vld [tilespmem:$0x188A0]  }
0x11a: {  	v5 =	vld [tilespmem:$0x1A8A0]  }
0x11b: {  	v6 =	vld [tilespmem:$0x188B0]  }
0x11c: {  	v7 =	vld [tilespmem:$0x1A8B0]  }
0x11d: {  	v8 =	vld [tilespmem:$0x188C0]  }
0x11e: {  	v9 =	vld [tilespmem:$0x1A8C0]  }
0x11f: {  	v10 =	vld [tilespmem:$0x188D0]  }
0x120: {  	v11 =	vld [tilespmem:$0x1A8D0]  }
0x121: {  	v12 =	vld [tilespmem:$0x188E0]  }
0x122: {  	v13 =	vld [tilespmem:$0x1A8E0]  }
0x123: {  	v14 =	vld [tilespmem:$0x188F0]  }
0x124: {  	s30 =	simm.s32 $0x0;
	v15 =	vld [tilespmem:$0x1A8F0]  }
0x125: {  	v53 =	vld [tilespmem:s30+$0x18970]  }
0x126: {  	v54 =	vld [tilespmem:s30+$0x1A970]  }
0x127: {  	v55 =	vld [tilespmem:s30+$0x18900]  }
0x128: {  	v56 =	vld [tilespmem:s30+$0x1A900]  }
0x129: {  	v57 =	vld [tilespmem:s30+$0x18910]  }
0x12a: {  	v58 =	vld [tilespmem:s30+$0x1A910]  }
0x12b: {  	v59 =	vld [tilespmem:s30+$0x18920]  }
0x12c: {  	v60 =	vld [tilespmem:s30+$0x1A920]  }
0x12d: {  	v61 =	vadd.f32 v1, v0;
	v1 =	vld [tilespmem:s30+$0x18930]  }
0x12e: {  	v62 =	vadd.f32 v3, v2;
	v4 =	vadd.f32 v5, v4;
	v5 =	vld [tilespmem:s30+$0x1A930]  }
0x12f: {  	v27 =	vld [tilespmem:s30+$0x18940];
	v63 =	vadd.f32 v7, v6;
	v3 =	vadd.f32 v9, v8  }
0x130: {  	v2 =	vadd.f32 v11, v10;
	v0 =	vadd.f32 v13, v12;
	v13 =	vld [tilespmem:s30+$0x1A940]  }
0x131: {  	v8 =	vadd.f32 v15, v14;
	v9 =	vadd.f32 v54, v53;
	v7 =	vld [tilespmem:s30+$0x18950]  }
0x132: {  	v11 =	vadd.f32 v56, v55;
	v14 =	vadd.f32 v58, v57;
	v10 =	vld [tilespmem:s30+$0x1A950]  }
0x133: {  	v15 =	vadd.f32 v60, v59;
	v6 =	vld [tilespmem:s30+$0x18960];
	v5 =	vadd.f32 v5, v1  }
0x134: {  	s29 =	simm.s32 $0x80;
	v12 =	vmax.f32 v61, v11;
	v11 =	vld [tilespmem:s30+$0x1A960];
	v1 =	vmax.f32 v8, v9;
	v9 =	vmax.f32 v62, v14  }
0x135: {  	s30 =	simm.s32 $0x400;
	v8 =	vmax.f32 v4, v15;
	v4 =	vld [tilespmem:s29+$0x18970];
	v13 =	vadd.f32 v13, v27;
	v5 =	vmax.f32 v63, v5  }
.LBB2_7:
0x136: {  	p0 =	sne.s32 s30, $0x3C00;
	v14 =	vld [tilespmem:s29+$0x1A970]  }
0x137: {  	v15 =	vld [tilespmem:s29+$0x18900];
	v3 =	vmax.f32 v3, v13;
	v7 =	vadd.f32 v10, v7  }
0x138: {  	v10 =	vld [tilespmem:s29+$0x1A900]  }
0x139: {  	v13 =	vld [tilespmem:s29+$0x18910];
	v2 =	vmax.f32 v2, v7;
	v6 =	vadd.f32 v11, v6  }
0x13a: {  	v7 =	vld [tilespmem:s29+$0x1A910]  }
0x13b: {  	v11 =	vld [tilespmem:s29+$0x18920];
	v4 =	vadd.f32 v14, v4;
	v0 =	vmax.f32 v0, v6  }
0x13c: {  	v6 =	vld [tilespmem:s29+$0x1A920]  }
0x13d: {  	v10 =	vadd.f32 v10, v15;
	v14 =	vld [tilespmem:s29+$0x18930];
	v1 =	vmax.f32 v1, v4  }
0x13e: {  	v4 =	vld [tilespmem:s29+$0x1A930]  }
0x13f: {  	v12 =	vmax.f32 v12, v10;
	v7 =	vadd.f32 v7, v13;
	v13 =	vld [tilespmem:s29+$0x18940]  }
0x140: {  	v15 =	vld [tilespmem:s29+$0x1A940]  }
.Ltmp2:
0x141: {  	v9 =	vmax.f32 v9, v7;
	v6 =	vadd.f32 v6, v11;
	v7 =	vld [tilespmem:s29+$0x18950];
	(pc) =	sbr.rel @p0 .LBB2_7-.Ltmp2, $4  }
0x142: {  	v10 =	vld [tilespmem:s29+$0x1A950]  }
0x143: {  	v8 =	vmax.f32 v8, v6;
	v14 =	vadd.f32 v4, v14;
	v6 =	vld [tilespmem:s29+$0x18960]  }
0x144: {  	v11 =	vld [tilespmem:s29+$0x1A960];
	s29 =	sshra.s32 s30, $0x2  }
0x145: {  	s30 =	sadd.s32 $0x200, s30;
	v4 =	vld [tilespmem:s29+$0x18970];
	v5 =	vmax.f32 v5, v14;
	v13 =	vadd.f32 v15, v13  }
0x146: {  	v14 =	vld [tilespmem:s29+$0x1A970]  }
0x147: {  	v15 =	vld [tilespmem:s29+$0x18900]  }
0x148: {  	v16 =	vld [tilespmem:s29+$0x1A900]  }
0x149: {  	v17 =	vld [tilespmem:s29+$0x18910]  }
0x14a: {  	v18 =	vld [tilespmem:s29+$0x1A910]  }
0x14b: {  	v19 =	vld [tilespmem:s29+$0x18920]  }
0x14c: {  	v20 =	vld [tilespmem:s29+$0x1A920]  }
0x14d: {  	v22 =	vld [tilespmem:$0xA800]  }
0x14e: {  	v21 =	vld [tilespmem:s29+$0x18930]  }
0x14f: {  	v23 =	vld [tilespmem:s29+$0x1A930];
	v15 =	vadd.f32 v16, v15  }
0x150: {  	v51 =	vld [tilespmem:s29+$0x18940]  }
0x151: {  	v24 =	vld [tilespmem:s29+$0x1A940];
	v12 =	vmax.f32 v12, v15  }
0x152: {  	v25 =	vld [tilespmem:s29+$0x1A950];
	v12 =	vadd.f32 v22, v12  }
0x153: {  	v52 =	vld [tilespmem:s29+$0x18960];
	s28 =	sshll.u32 s28, $0x8  }
0x154: {  	v26 =	vld [tilespmem:s29+$0x1A960];
	s28 =	sand.u32 $0x3FFFFF00, s28;
	v12 =	vmax.f32 v12, $0.0e+00  }
0x155: {  	v15 =	vld [tilespmem:s29+$0x18950];
	[tilespmem:s28+$0xA880] =	vst v12  }
0x156: {  	v12 =	vld [tilespmem:$0xA810];
	_ =	sdelay $0x1  }
0x157: {  	v17 =	vadd.f32 v18, v17;
	_ =	sdelay $0x1  }
0x158: {  	v9 =	vmax.f32 v9, v17  }
0x159: {  	v9 =	vadd.f32 v12, v9;
	_ =	sdelay $0x1  }
0x15a: {  	v9 =	vmax.f32 v9, $0.0e+00  }
0x15b: {  	[tilespmem:s28+$0xA890] =	vst v9  }
0x15c: {  	v9 =	vld [tilespmem:$0xA820];
	_ =	sdelay $0x1  }
0x15d: {  	v12 =	vadd.f32 v20, v19;
	_ =	sdelay $0x1  }
0x15e: {  	v8 =	vmax.f32 v8, v12  }
0x15f: {  	v8 =	vadd.f32 v9, v8;
	_ =	sdelay $0x1  }
0x160: {  	v8 =	vmax.f32 v8, $0.0e+00  }
0x161: {  	[tilespmem:s28+$0xA8A0] =	vst v8  }
0x162: {  	v8 =	vld [tilespmem:$0xA830];
	_ =	sdelay $0x1  }
0x163: {  	v9 =	vadd.f32 v23, v21;
	_ =	sdelay $0x1  }
0x164: {  	v5 =	vmax.f32 v5, v9  }
0x165: {  	v5 =	vadd.f32 v8, v5;
	_ =	sdelay $0x1  }
0x166: {  	v5 =	vmax.f32 v5, $0.0e+00  }
0x167: {  	[tilespmem:s28+$0xA8B0] =	vst v5  }
0x168: {  	v5 =	vld [tilespmem:$0xA840];
	_ =	sdelay $0x1  }
0x169: {  	v8 =	vadd.f32 v24, v51  }
0x16a: {  	v3 =	vmax.f32 v3, v13  }
0x16b: {  	v3 =	vmax.f32 v3, v8  }
0x16c: {  	v3 =	vadd.f32 v5, v3;
	_ =	sdelay $0x1  }
0x16d: {  	v3 =	vmax.f32 v3, $0.0e+00  }
0x16e: {  	[tilespmem:s28+$0xA8C0] =	vst v3  }
0x16f: {  	v3 =	vld [tilespmem:$0xA850]  }
0x170: {  	v5 =	vadd.f32 v10, v7  }
0x171: {  	v7 =	vadd.f32 v25, v15  }
0x172: {  	v2 =	vmax.f32 v2, v5  }
0x173: {  	v2 =	vmax.f32 v2, v7  }
0x174: {  	v2 =	vadd.f32 v3, v2;
	_ =	sdelay $0x1  }
0x175: {  	v2 =	vmax.f32 v2, $0.0e+00  }
0x176: {  	[tilespmem:s28+$0xA8D0] =	vst v2  }
0x177: {  	v2 =	vld [tilespmem:$0xA860]  }
0x178: {  	v3 =	vadd.f32 v11, v6  }
0x179: {  	v5 =	vadd.f32 v26, v52  }
0x17a: {  	v0 =	vmax.f32 v0, v3  }
0x17b: {  	v0 =	vmax.f32 v0, v5  }
0x17c: {  	v0 =	vadd.f32 v2, v0;
	_ =	sdelay $0x1  }
0x17d: {  	v0 =	vmax.f32 v0, $0.0e+00  }
0x17e: {  	[tilespmem:s28+$0xA8E0] =	vst v0  }
0x17f: {  	v0 =	vld [tilespmem:$0xA870];
	_ =	sdelay $0x1  }
0x180: {  	v2 =	vadd.f32 v14, v4;
	_ =	sdelay $0x1  }
0x181: {  	v1 =	vmax.f32 v1, v2  }
0x182: {  	v0 =	vadd.f32 v0, v1;
	_ =	sdelay $0x1  }
0x183: {  	v0 =	vmax.f32 v0, $0.0e+00  }
0x184: {  	[tilespmem:s28+$0xA8F0] =	vst v0  }
0x185: {  	v0 =	vld [tilespmem:$0x19880]  }
0x186: {  	v1 =	vld [tilespmem:$0x1B880]  }
0x187: {  	v2 =	vld [tilespmem:$0x19890]  }
0x188: {  	v3 =	vld [tilespmem:$0x1B890]  }
0x189: {  	v4 =	vld [tilespmem:$0x198A0]  }
0x18a: {  	v5 =	vld [tilespmem:$0x1B8A0]  }
0x18b: {  	v6 =	vld [tilespmem:$0x198B0]  }
0x18c: {  	v7 =	vld [tilespmem:$0x1B8B0]  }
0x18d: {  	v8 =	vld [tilespmem:$0x198C0]  }
0x18e: {  	v9 =	vld [tilespmem:$0x1B8C0]  }
0x18f: {  	v10 =	vld [tilespmem:$0x198D0]  }
0x190: {  	v11 =	vld [tilespmem:$0x1B8D0]  }
0x191: {  	v12 =	vld [tilespmem:$0x198E0]  }
0x192: {  	v13 =	vld [tilespmem:$0x1B8E0]  }
0x193: {  	v14 =	vld [tilespmem:$0x198F0]  }
0x194: {  	s30 =	simm.s32 $0x0;
	v15 =	vld [tilespmem:$0x1B8F0]  }
0x195: {  	v53 =	vld [tilespmem:s30+$0x19970]  }
0x196: {  	v54 =	vld [tilespmem:s30+$0x1B970]  }
0x197: {  	v55 =	vld [tilespmem:s30+$0x19900]  }
0x198: {  	v56 =	vld [tilespmem:s30+$0x1B900]  }
0x199: {  	v57 =	vld [tilespmem:s30+$0x19910]  }
0x19a: {  	v58 =	vld [tilespmem:s30+$0x1B910]  }
0x19b: {  	v59 =	vld [tilespmem:s30+$0x19920]  }
0x19c: {  	v60 =	vld [tilespmem:s30+$0x1B920]  }
0x19d: {  	v61 =	vadd.f32 v1, v0;
	v1 =	vld [tilespmem:s30+$0x19930]  }
0x19e: {  	v62 =	vadd.f32 v3, v2;
	v4 =	vadd.f32 v5, v4;
	v5 =	vld [tilespmem:s30+$0x1B930]  }
0x19f: {  	v27 =	vld [tilespmem:s30+$0x19940];
	v63 =	vadd.f32 v7, v6;
	v3 =	vadd.f32 v9, v8  }
0x1a0: {  	v2 =	vadd.f32 v11, v10;
	v0 =	vadd.f32 v13, v12;
	v13 =	vld [tilespmem:s30+$0x1B940]  }
0x1a1: {  	v8 =	vadd.f32 v15, v14;
	v9 =	vadd.f32 v54, v53;
	v7 =	vld [tilespmem:s30+$0x19950]  }
0x1a2: {  	v11 =	vadd.f32 v56, v55;
	v14 =	vadd.f32 v58, v57;
	v10 =	vld [tilespmem:s30+$0x1B950]  }
0x1a3: {  	v15 =	vadd.f32 v60, v59;
	v6 =	vld [tilespmem:s30+$0x19960];
	v5 =	vadd.f32 v5, v1  }
0x1a4: {  	s29 =	simm.s32 $0x80;
	v12 =	vmax.f32 v61, v11;
	v11 =	vld [tilespmem:s30+$0x1B960];
	v1 =	vmax.f32 v8, v9;
	v9 =	vmax.f32 v62, v14  }
0x1a5: {  	s30 =	simm.s32 $0x400;
	v8 =	vmax.f32 v4, v15;
	v4 =	vld [tilespmem:s29+$0x19970];
	v13 =	vadd.f32 v13, v27;
	v5 =	vmax.f32 v63, v5  }
.LBB2_9:
0x1a6: {  	p0 =	sne.s32 s30, $0x3C00;
	v14 =	vld [tilespmem:s29+$0x1B970]  }
0x1a7: {  	v15 =	vld [tilespmem:s29+$0x19900];
	v3 =	vmax.f32 v3, v13;
	v7 =	vadd.f32 v10, v7  }
0x1a8: {  	v10 =	vld [tilespmem:s29+$0x1B900]  }
0x1a9: {  	v13 =	vld [tilespmem:s29+$0x19910];
	v2 =	vmax.f32 v2, v7;
	v6 =	vadd.f32 v11, v6  }
0x1aa: {  	v7 =	vld [tilespmem:s29+$0x1B910]  }
0x1ab: {  	v11 =	vld [tilespmem:s29+$0x19920];
	v4 =	vadd.f32 v14, v4;
	v0 =	vmax.f32 v0, v6  }
0x1ac: {  	v6 =	vld [tilespmem:s29+$0x1B920]  }
0x1ad: {  	v10 =	vadd.f32 v10, v15;
	v14 =	vld [tilespmem:s29+$0x19930];
	v1 =	vmax.f32 v1, v4  }
0x1ae: {  	v4 =	vld [tilespmem:s29+$0x1B930]  }
0x1af: {  	v12 =	vmax.f32 v12, v10;
	v7 =	vadd.f32 v7, v13;
	v13 =	vld [tilespmem:s29+$0x19940]  }
0x1b0: {  	v15 =	vld [tilespmem:s29+$0x1B940]  }
.Ltmp3:
0x1b1: {  	v9 =	vmax.f32 v9, v7;
	v6 =	vadd.f32 v6, v11;
	v7 =	vld [tilespmem:s29+$0x19950];
	(pc) =	sbr.rel @p0 .LBB2_9-.Ltmp3, $4  }
0x1b2: {  	v10 =	vld [tilespmem:s29+$0x1B950]  }
0x1b3: {  	v8 =	vmax.f32 v8, v6;
	v14 =	vadd.f32 v4, v14;
	v6 =	vld [tilespmem:s29+$0x19960]  }
0x1b4: {  	v11 =	vld [tilespmem:s29+$0x1B960];
	s29 =	sshra.s32 s30, $0x2  }
0x1b5: {  	s30 =	sadd.s32 $0x200, s30;
	v4 =	vld [tilespmem:s29+$0x19970];
	v5 =	vmax.f32 v5, v14;
	v13 =	vadd.f32 v15, v13  }
0x1b6: {  	v14 =	vld [tilespmem:s29+$0x1B970]  }
0x1b7: {  	v15 =	vld [tilespmem:s29+$0x19900]  }
0x1b8: {  	v16 =	vld [tilespmem:s29+$0x1B900]  }
0x1b9: {  	v17 =	vld [tilespmem:s29+$0x19910]  }
0x1ba: {  	v18 =	vld [tilespmem:s29+$0x1B910]  }
0x1bb: {  	v19 =	vld [tilespmem:s29+$0x19920]  }
0x1bc: {  	v20 =	vld [tilespmem:s29+$0x1B920]  }
0x1bd: {  	v22 =	vld [tilespmem:$0xA800]  }
0x1be: {  	v21 =	vld [tilespmem:s29+$0x19930]  }
0x1bf: {  	v23 =	vld [tilespmem:s29+$0x1B930];
	v15 =	vadd.f32 v16, v15  }
0x1c0: {  	v53 =	vld [tilespmem:s29+$0x19940]  }
0x1c1: {  	v24 =	vld [tilespmem:s29+$0x1B940];
	v12 =	vmax.f32 v12, v15  }
0x1c2: {  	v54 =	vld [tilespmem:s29+$0x19950];
	v12 =	vadd.f32 v22, v12  }
0x1c3: {  	v25 =	vld [tilespmem:s29+$0x1B950]  }
0x1c4: {  	v55 =	vld [tilespmem:s29+$0x19960];
	v12 =	vmax.f32 v12, $0.0e+00  }
0x1c5: {  	v26 =	vld [tilespmem:s29+$0x1B960];
	[tilespmem:s28+$0xA900] =	vst v12  }
0x1c6: {  	v12 =	vld [tilespmem:$0xA810];
	_ =	sdelay $0x1  }
0x1c7: {  	v17 =	vadd.f32 v18, v17;
	_ =	sdelay $0x1  }
0x1c8: {  	v9 =	vmax.f32 v9, v17  }
0x1c9: {  	v9 =	vadd.f32 v12, v9;
	_ =	sdelay $0x1  }
0x1ca: {  	v9 =	vmax.f32 v9, $0.0e+00  }
0x1cb: {  	[tilespmem:s28+$0xA910] =	vst v9  }
0x1cc: {  	v9 =	vld [tilespmem:$0xA820];
	_ =	sdelay $0x1  }
0x1cd: {  	v56 =	vadd.f32 v20, v19;
	_ =	sdelay $0x1  }
0x1ce: {  	v8 =	vmax.f32 v8, v56  }
0x1cf: {  	v8 =	vadd.f32 v9, v8;
	_ =	sdelay $0x1  }
0x1d0: {  	v8 =	vmax.f32 v8, $0.0e+00  }
0x1d1: {  	[tilespmem:s28+$0xA920] =	vst v8  }
0x1d2: {  	v8 =	vld [tilespmem:$0xA830];
	_ =	sdelay $0x1  }
0x1d3: {  	v57 =	vadd.f32 v23, v21;
	_ =	sdelay $0x1  }
0x1d4: {  	v5 =	vmax.f32 v5, v57  }
0x1d5: {  	v5 =	vadd.f32 v8, v5;
	_ =	sdelay $0x1  }
0x1d6: {  	v5 =	vmax.f32 v5, $0.0e+00  }
0x1d7: {  	[tilespmem:s28+$0xA930] =	vst v5  }
0x1d8: {  	v5 =	vld [tilespmem:$0xA840];
	_ =	sdelay $0x1  }
0x1d9: {  	v58 =	vadd.f32 v24, v53  }
0x1da: {  	v3 =	vmax.f32 v3, v13  }
0x1db: {  	v3 =	vmax.f32 v3, v58  }
0x1dc: {  	v3 =	vadd.f32 v5, v3;
	_ =	sdelay $0x1  }
0x1dd: {  	v3 =	vmax.f32 v3, $0.0e+00  }
0x1de: {  	[tilespmem:s28+$0xA940] =	vst v3  }
0x1df: {  	v3 =	vld [tilespmem:$0xA850]  }
0x1e0: {  	v59 =	vadd.f32 v10, v7  }
0x1e1: {  	v60 =	vadd.f32 v25, v54  }
0x1e2: {  	v2 =	vmax.f32 v2, v59  }
0x1e3: {  	v2 =	vmax.f32 v2, v60  }
0x1e4: {  	v2 =	vadd.f32 v3, v2;
	_ =	sdelay $0x1  }
0x1e5: {  	v2 =	vmax.f32 v2, $0.0e+00  }
0x1e6: {  	[tilespmem:s28+$0xA950] =	vst v2  }
0x1e7: {  	v2 =	vld [tilespmem:$0xA860]  }
0x1e8: {  	v61 =	vadd.f32 v11, v6  }
0x1e9: {  	v62 =	vadd.f32 v26, v55  }
0x1ea: {  	v0 =	vmax.f32 v0, v61  }
0x1eb: {  	v0 =	vmax.f32 v0, v62  }
0x1ec: {  	v0 =	vadd.f32 v2, v0;
	_ =	sdelay $0x1  }
0x1ed: {  	v0 =	vmax.f32 v0, $0.0e+00  }
0x1ee: {  	[tilespmem:s28+$0xA960] =	vst v0  }
0x1ef: {  	v0 =	vld [tilespmem:$0xA870];
	_ =	sdelay $0x1  }
0x1f0: {  	s26 =	sadd.s32 $0x1, s26;
	v63 =	vadd.f32 v14, v4  }
0x1f1: {  	p0 =	sne.s32 s26, $0x50  }
.Ltmp4:
0x1f2: {  	v1 =	vmax.f32 v1, v63;
	(pc) =	sbr.rel @p0 .LBB2_2-.Ltmp4, $3  }
0x1f3: {  	v0 =	vadd.f32 v0, v1;
	_ =	sdelay $0x1  }
0x1f4: {  	v0 =	vmax.f32 v0, $0.0e+00  }
0x1f5: {  	[tilespmem:s28+$0xA970] =	vst v0  }
0x1f6: {  	_ =	swait.ge [sflag:s18], $0x2000  }
0x1f7: {  	[sflag:s18] =	ssyncset.done $0x0  }
0x1f8: {  	[sflag:s18] =	ssyncadd.s32 $0xFFFFE000  }
0x1f9: {  	s25 =	sadd.s32 $0x1, s25;
	_ =	swait.ge [sflag:s19], $0x2000  }
0x1fa: {  	p0 =	sne.s32 s25, s9;
	[sflag:s19] =	ssyncset.done $0x0  }
.Ltmp5:
0x1fb: {  	[sflag:s19] =	ssyncadd.s32 $0xFFFFE000;
	(pc) =	sbr.rel @p0 .LBB2_1-.Ltmp5, $4  }
0x1fc: {  	[hbm4b:s8+s22] =	stream.strided.scatter [tilespmem:s24], [sflag:$0x5], $0xA000, s23, s22, $0x38;
	[tilespmem:$0x1C880] =	vst v63  }
0x1fd: {  	_ =	swait.ge [sflag:s10], $0xA000  }
0x1fe: {  	[sflag:s10] =	ssyncset.done $0x0  }
0x1ff: {  	[sflag:s10] =	ssyncadd.s32 $0xFFFF6000  }
0x200: {  	_ =	sfence.sel $0x180000  }
0x201: {  	[bflag:$0x0] =	sbarrier.arrive $0xFFFF  }
0x202: {  	p0 =	sne.s32 s0, $0x0;
	_ =	strace $0x90000047  }
0x203: {  	s0 =	sadd.s32 @!p0 $0x100000, s2;
	[bflag:$0x2] =	sbarrier.arrive $0xFFFF  }
0x204: {  	[sflag:s0] =	ssyncadd.tile.s32 @!p0 $0x1;
	_ =	shalt  }
.Lfunc_end2:
_tile_overlayer_lowered:
.L_overlay_start_2:
0x205: {  	(tag) =	ssettag $0x2  }
0x206: {  	s0 =	rddreg [dreg:$0x0];
	s2 =	stileid.u32  }
0x207: {  	s1 =	rddreg [dreg:$0x1];
	p0 =	sne.s32 s2, $0x0  }
0x208: {  	s3 =	rddreg [dreg:$0x2];
	[bflag:$0x3] =	sbarrier.arrive $0xFFFF;
	s2 =	simm.s32 @!p0 $0x1C05  }
0x209: {  	[timem:s3], [sflag:s2] =	dma.local @!p0 [hbm:s0], s1  }
0x20a: {  	s0 =	simm.s32 @!p0 $0x5  }
0x20b: {  	_ =	swait.ge @!p0 [sflag:s0], s1  }
0x20c: {  	s1 =	ssub.s32 @!p0 $0x0, s1;
	[sflag:s0] =	ssyncset.done @!p0 $0x0  }
0x20d: {  	[sflag:s0] =	ssyncadd.s32 @!p0 s1  }
0x20e: {  	[bflag:$0x3] =	sbarrier.arrive $0xFFFF  }
0x20f: {  	_ =	shalt  }

</sc_bundles>
